<compile_context>
chip_gen: v7x
topology: tpu7x:2x2x1
jax: 0.10.2.dev20260603
libtpu: 0.0.44.dev20260713+nightly
codegen_flags: <defaults>
</compile_context>

<pallas_src>
import jax
import jax.numpy as jnp
from jax import lax
from jax.experimental import pallas as pl
from jax.experimental.pallas import tpu as pltpu
from jax.experimental.pallas import tpu_sc as plsc

N = 320000
D = 128
S = 10000
S_PAD = 10240
NC = 2
NS = 16
NW1 = NC * NS
CH = N // NW1
NW2 = NS
SLICE = S_PAD // NW2
L = 16

BLK = 32000



def _mv_body(x_ref, w_in_ref, b_in_ref, w_out_ref, b_out_ref, o_ref):
    w = jnp.dot(w_out_ref[...], w_in_ref[...],
                preferred_element_type=jnp.float32)
    c = jnp.sum(w_out_ref[...] * b_in_ref[...]) + b_out_ref[0, 0]
    o_ref[...] = (jnp.sum(x_ref[...] * w, axis=1) + c).reshape(1, BLK // 128, 128)


def _matvec(x, w_in, b_in, w_out, b_out):
    return pl.pallas_call(
        _mv_body,
        grid=(N // BLK,),
        in_specs=[
            pl.BlockSpec((BLK, D), lambda i: (i, 0)),
            pl.BlockSpec((D, D), lambda i: (0, 0)),
            pl.BlockSpec((1, D), lambda i: (0, 0)),
            pl.BlockSpec((1, D), lambda i: (0, 0)),
            pl.BlockSpec((1, 1), lambda i: (0, 0)),
        ],
        out_specs=pl.BlockSpec((1, BLK // 128, 128), lambda i: (i, 0, 0)),
        out_shape=jax.ShapeDtypeStruct((N // BLK, BLK // 128, 128), jnp.float32),
    )(x, w_in, b_in, w_out, b_out)



_GATHER_DNUMS = lax.GatherDimensionNumbers(
    offset_dims=(), collapsed_slice_dims=(0,), start_index_map=(0,))


def _g16(src, idx):
    return lax.gather(src, idx[:, None], _GATHER_DNUMS, slice_sizes=(1,),
                      mode=lax.GatherScatterMode.PROMISE_IN_BOUNDS)


def _sc1_body(pred_hbm, samples_hbm, sums_out, pres_out,
              s_buf, v_buf, acc, pres, tmp2f, tmp2i, asl, psl,
              sums_sh, pres_sh):
    cid = lax.axis_index("c")
    sid = lax.axis_index("s")
    wid = cid * NS + sid
    base = wid * CH
    iota = lax.iota(jnp.int32, L)
    zeros_f = jnp.zeros((L,), jnp.float32)
    zeros_i = jnp.zeros((L,), jnp.int32)
    ones_i = jnp.ones((L,), jnp.int32)

    def zero_body(j, _):
        acc[pl.ds(j * L, L)] = zeros_f
        pres[pl.ds(j * L, L)] = zeros_i
        return 0
    lax.fori_loop(0, S_PAD // L, zero_body, 0)

    pltpu.sync_copy(pred_hbm.at[pl.ds(base, CH)], v_buf)
    pltpu.sync_copy(samples_hbm.at[pl.ds(base, CH)], s_buf.at[pl.ds(0, CH)])

    @plsc.parallel_loop(0, CH // L, unroll=4)
    def scan_body(i):
        s_cur = s_buf[pl.ds(i * L, L)]
        s_nx = s_buf[pl.ds(i * L + 1, L)]
        v = v_buf[pl.ds(i * L, L)]
        ends14 = (s_cur != s_nx) & (iota < 15)
        c = plsc.cumsum(v)
        m = plsc.cummax(jnp.where(ends14, iota, -1))
        prev = jnp.where(iota >= 1, _g16(m, jnp.maximum(iota - 1, 0)), -1)
        base_c = jnp.where(prev >= 0, _g16(c, jnp.maximum(prev, 0)), 0.0)
        val = c - base_c
        mask = ends14 | (iota == 15)
        plsc.addupdate_scatter(acc, [s_cur], val, mask=mask)
        plsc.addupdate_scatter(pres, [s_cur], ones_i, mask=mask)

    pltpu.sync_copy(acc, sums_sh.at[sid])
    pltpu.sync_copy(pres, pres_sh.at[sid])
    plsc.subcore_barrier()

    off = sid * SLICE
    pltpu.sync_copy(sums_sh.at[:, pl.ds(off, SLICE)], tmp2f)
    pltpu.sync_copy(pres_sh.at[:, pl.ds(off, SLICE)], tmp2i)

    def bzero(j, _):
        asl[pl.ds(j * L, L)] = zeros_f
        psl[pl.ds(j * L, L)] = zeros_i
        return 0
    lax.fori_loop(0, SLICE // L, bzero, 0)

    def red_tile(t, _):
        def add_vec(j, _):
            asl[pl.ds(j * L, L)] = asl[pl.ds(j * L, L)] + tmp2f[t, pl.ds(j * L, L)]
            psl[pl.ds(j * L, L)] = psl[pl.ds(j * L, L)] + tmp2i[t, pl.ds(j * L, L)]
            return 0
        lax.fori_loop(0, SLICE // L, add_vec, 0)
        return 0
    lax.fori_loop(0, NS, red_tile, 0)

    pltpu.sync_copy(asl, sums_out.at[cid, pl.ds(off, SLICE)])
    pltpu.sync_copy(psl, pres_out.at[cid, pl.ds(off, SLICE)])


def _sc2_body(sums_hbm, pres_hbm, out_hbm,
              t2f, t2i, accv, presv, out_v):
    wid = lax.axis_index("s")
    zeros_f = jnp.zeros((L,), jnp.float32)
    zeros_i = jnp.zeros((L,), jnp.int32)
    full15 = jnp.full((L,), 15, jnp.int32)

    @pl.when(wid == 0)
    def _():
        pltpu.sync_copy(sums_hbm, t2f)
        pltpu.sync_copy(pres_hbm, t2i)

        def comb(j, cnt):
            sl = pl.ds(j * L, L)
            accv[sl] = t2f[0, sl] + t2f[1, sl]
            p = t2i[0, sl] + t2i[1, sl]
            presv[sl] = p
            return cnt + (p > 0).astype(jnp.int32)
        cnt = lax.fori_loop(0, S_PAD // L, comb, zeros_i)
        n_present = jnp.sum(cnt)

        @pl.when(n_present == S)
        def _():
            pltpu.sync_copy(accv.at[pl.ds(0, S)], out_hbm)

        @pl.when(n_present != S)
        def _():
            def czero(j, _):
                out_v[pl.ds(j * L, L)] = zeros_f
                return 0
            lax.fori_loop(0, S_PAD // L, czero, 0)

            def rank_body(j, run):
                p = presv[pl.ds(j * L, L)] > 0
                p01 = p.astype(jnp.int32)
                incl = plsc.cumsum(p01)
                rank = run + incl - p01
                sv = accv[pl.ds(j * L, L)]
                plsc.store_scatter(out_v, [rank], sv, mask=p)
                return run + _g16(incl, full15)

            lax.fori_loop(0, S_PAD // L, rank_body, zeros_i)
            pltpu.sync_copy(out_v.at[pl.ds(0, S)], out_hbm)


def _sc_segsum(pred, samples):
    mesh1 = plsc.VectorSubcoreMesh(core_axis_name="c", subcore_axis_name="s",
                                   num_cores=NC, num_subcores=NS)
    sums, pres = pl.kernel(
        _sc1_body,
        out_type=(jax.ShapeDtypeStruct((NC, S_PAD), jnp.float32),
                  jax.ShapeDtypeStruct((NC, S_PAD), jnp.int32)),
        mesh=mesh1,
        compiler_params=pltpu.CompilerParams(needs_layout_passes=False),
        scratch_types=[
            pltpu.VMEM((CH + L,), jnp.int32),
            pltpu.VMEM((CH,), jnp.float32),
            pltpu.VMEM((S_PAD,), jnp.float32),
            pltpu.VMEM((S_PAD,), jnp.int32),
            pltpu.VMEM((NS, SLICE), jnp.float32),
            pltpu.VMEM((NS, SLICE), jnp.int32),
            pltpu.VMEM((SLICE,), jnp.float32),
            pltpu.VMEM((SLICE,), jnp.int32),
            pltpu.VMEM_SHARED((NS, S_PAD), jnp.float32),
            pltpu.VMEM_SHARED((NS, S_PAD), jnp.int32),
        ],
    )(pred, samples)

    mesh2 = plsc.VectorSubcoreMesh(core_axis_name="c", subcore_axis_name="s",
                                   num_cores=1, num_subcores=NS)
    return pl.kernel(
        _sc2_body,
        out_type=jax.ShapeDtypeStruct((S,), jnp.float32),
        mesh=mesh2,
        compiler_params=pltpu.CompilerParams(needs_layout_passes=False),
        scratch_types=[
            pltpu.VMEM((NC, S_PAD), jnp.float32),
            pltpu.VMEM((NC, S_PAD), jnp.int32),
            pltpu.VMEM((S_PAD,), jnp.float32),
            pltpu.VMEM((S_PAD,), jnp.int32),
            pltpu.VMEM((S_PAD,), jnp.float32),
        ],
    )(sums, pres)


def kernel(x, samples, W_in, b_in, W_out, b_out):
    pred = _matvec(x, W_in, b_in.reshape(1, D), W_out, b_out.reshape(1, 1))
    out = _sc_segsum(pred.reshape(N), samples)
    return out.reshape(S, 1)

# --- scband reference (transcript-rebuilt; emitter-appended) ---
"""Pipeline reference for scband-triplet-energy-57681410786139 (READ-ONLY COPY).

The authoritative reference and input builder live on the scoring server;
editing this copy changes nothing except your own understanding.
"""

import jax, jax.numpy as jnp
import numpy as np

N = 320000
D_IN = 128
D_MID = 128  # intermediate_size == hidden_size (required: model = Sequential(input_layer, out_layer))
NUM_STRUCTURES = 10000


def setup_inputs(seed: int = 0) -> dict:
    key = jax.random.key(seed)
    k1, k2, k3, k4, k5, k6 = jax.random.split(key, 6)
    x = jax.random.normal(k1, (N, D_IN), dtype=jnp.float32)
    samples = jnp.sort(jax.random.randint(k2, (N,), 0, NUM_STRUCTURES, dtype=jnp.int32))
    # Learned parameters (torch Linear layout: W [out, in], b [out])
    W_in = jax.random.normal(k3, (D_MID, D_IN), dtype=jnp.float32) * (1.0 / np.sqrt(D_IN))
    b_in = jax.random.normal(k4, (D_MID,), dtype=jnp.float32) * 0.01
    W_out = jax.random.normal(k5, (1, D_MID), dtype=jnp.float32) * (1.0 / np.sqrt(D_MID))
    b_out = jax.random.normal(k6, (1,), dtype=jnp.float32) * 0.01
    return {"x": x, "samples": samples, "W_in": W_in, "b_in": b_in, "W_out": W_out, "b_out": b_out}


def _structure_map(seg_np):
    # Faithful port of StructureMap: remap raw structure labels to contiguous
    # ids in order of FIRST APPEARANCE.
    uniq, first_idx, inverse = np.unique(seg_np, return_index=True, return_inverse=True)
    appearance = np.empty(len(uniq), dtype=np.int64)
    appearance[np.argsort(first_idx)] = np.arange(len(uniq))
    smap = appearance[inverse.reshape(-1)]
    return jnp.asarray(smap, dtype=jnp.int32), int(len(uniq))


def reference(x, samples, W_in, b_in, W_out, b_out):
    # model = Sequential(input_layer, out_layer); hidden_layer is unused in forward
    h = x @ W_in.T + b_in
    pred = h @ W_out.T + b_out  # [N, 1]
    # structure_wise_energy: zeros + index_add_  ==  segment_sum
    # samples is sorted, so first-appearance order coincides with ascending
    # order: the contiguous id of each element is the running count of value
    # changes along the sorted array (identical to _structure_map's smap).
    boundary = jnp.concatenate(
        [jnp.zeros((1,), dtype=jnp.int32),
         (samples[1:] != samples[:-1]).astype(jnp.int32)]
    )
    smap = jnp.cumsum(boundary)
    out = jax.ops.segment_sum(pred, smap, num_segments=NUM_STRUCTURES)
    return out

if __name__ == "__main__":
    import jax
    _d = setup_inputs()
    print(jax.jit(kernel)(*tuple(_d.values())))

</pallas_src>

<mosaic_0001>
#map = affine_map<(d0, d1) -> (0, 0)>
#map1 = affine_map<(d0, d1) -> (0)>
module attributes {stable_mosaic.version = 14 : i64} {
  func.func @_sc2_body(%arg0: i32, %arg1: i32, %arg2: memref<2x10240xf32, #tpu.memory_space<hbm>>, %arg3: memref<2x10240xi32, #tpu.memory_space<hbm>>, %arg4: memref<10000xf32, #tpu.memory_space<hbm>>, %arg5: memref<2x10240xf32, #tpu.memory_space<vmem>>, %arg6: memref<2x10240xi32, #tpu.memory_space<vmem>>, %arg7: memref<10240xf32, #tpu.memory_space<vmem>>, %arg8: memref<10240xi32, #tpu.memory_space<vmem>>, %arg9: memref<10240xf32, #tpu.memory_space<vmem>>) attributes {dimension_semantics = [#tpu.dimension_semantics<core_parallel>, #tpu.dimension_semantics<subcore_parallel>], iteration_bounds = array<i64: 1, 16>, scalar_prefetch = 0 : i64, scratch_operands = 5 : i64, tpu.core_type = #tpu.core_type<sc_vector_subcore>, window_params = [{transform_indices = #map}, {transform_indices = #map}, {transform_indices = #map1}]} {
    %broadcast_in_dim3A = arith.constant 0.000000e+00 : f32
    %broadcast_in_dim3A_0 = vector.broadcast %broadcast_in_dim3A : f32 to vector<16xf32>
    %broadcast_in_dim3A_1 = arith.constant 0 : i32
    %broadcast_in_dim3A_2 = vector.broadcast %broadcast_in_dim3A_1 : i32 to vector<16xi32>
    %broadcast_in_dim3A_3 = arith.constant 15 : i32
    %broadcast_in_dim3A_4 = vector.broadcast %broadcast_in_dim3A_3 : i32 to vector<16xi32>
    %eq3A = arith.constant 0 : i32
    %eq3A_5 = arith.cmpi eq, %arg1, %eq3A : i32
    %convert_element_type3A = arith.extui %eq3A_5 : i1 to i32
    %cond3A = arith.constant 0 : i32
    %cond3A_6 = arith.cmpi ne, %convert_element_type3A, %cond3A : i32
    scf.if %cond3A_6 {
      "tpu.region"() ({
        %run_scoped3A = tpu.sem_alloc : memref<!tpu.dma_semaphore, #tpu.memory_space<semaphore_mem>>
        tpu.enqueue_dma source(%arg2 : memref<2x10240xf32, #tpu.memory_space<hbm>>) target(%arg5 : memref<2x10240xf32, #tpu.memory_space<vmem>>) target_semaphore(%run_scoped3A : memref<!tpu.dma_semaphore, #tpu.memory_space<semaphore_mem>>)
        tpu.wait_dma2 semaphore(%run_scoped3A : memref<!tpu.dma_semaphore, #tpu.memory_space<semaphore_mem>>) src(%arg2 : memref<2x10240xf32, #tpu.memory_space<hbm>>) dst(%arg5 : memref<2x10240xf32, #tpu.memory_space<vmem>>)
        tpu.yield
      }) : () -> ()
      "tpu.region"() ({
        %run_scoped3A = tpu.sem_alloc : memref<!tpu.dma_semaphore, #tpu.memory_space<semaphore_mem>>
        tpu.enqueue_dma source(%arg3 : memref<2x10240xi32, #tpu.memory_space<hbm>>) target(%arg6 : memref<2x10240xi32, #tpu.memory_space<vmem>>) target_semaphore(%run_scoped3A : memref<!tpu.dma_semaphore, #tpu.memory_space<semaphore_mem>>)
        tpu.wait_dma2 semaphore(%run_scoped3A : memref<!tpu.dma_semaphore, #tpu.memory_space<semaphore_mem>>) src(%arg3 : memref<2x10240xi32, #tpu.memory_space<hbm>>) dst(%arg6 : memref<2x10240xi32, #tpu.memory_space<vmem>>)
        tpu.yield
      }) : () -> ()
      %scan3A = arith.constant 0 : i32
      %scan3A_7 = arith.constant 640 : i32
      %scan3A_8 = arith.addi %scan3A, %scan3A_7 : i32
      %scan3A_9 = arith.constant 1 : i32
      %scan3A_10 = scf.for %scan3A_24 = %scan3A to %scan3A_8 step %scan3A_9 iter_args(%scan3A_25 = %broadcast_in_dim3A_2) -> (vector<16xi32>)  : i32 {
        %mul3A = arith.constant 16 : i32
        %mul3A_26 = arith.muli %scan3A_24, %mul3A : i32
        %get3A = arith.constant 0 : i32
        %get3A_27 = arith.index_cast %get3A : i32 to index
        %get3A_28 = arith.index_cast %mul3A_26 : i32 to index
        %get3A_29 = tpu.vector_load %arg5[%get3A_27, %get3A_28] {strides = array<i32>} : memref<2x10240xf32, #tpu.memory_space<vmem>>, vector<16xf32>,
        %get3A_30 = arith.constant 1 : i32
        %get3A_31 = arith.index_cast %get3A_30 : i32 to index
        %get3A_32 = arith.index_cast %mul3A_26 : i32 to index
        %get3A_33 = tpu.vector_load %arg5[%get3A_31, %get3A_32] {strides = array<i32>} : memref<2x10240xf32, #tpu.memory_space<vmem>>, vector<16xf32>,
        %add3A = arith.addf %get3A_29, %get3A_33 : vector<16xf32>
        %swap3A = arith.index_cast %mul3A_26 : i32 to index
        %swap3A_34 = tpu.vector_load %arg7[%swap3A] {strides = array<i32>} : memref<10240xf32, #tpu.memory_space<vmem>>, vector<16xf32>,
        tpu.vector_store %arg7[%swap3A], %add3A {strides = array<i32>} : memref<10240xf32, #tpu.memory_space<vmem>>, vector<16xf32>,
        %get3A_35 = arith.constant 0 : i32
        %get3A_36 = arith.index_cast %get3A_35 : i32 to index
        %get3A_37 = arith.index_cast %mul3A_26 : i32 to index
        %get3A_38 = tpu.vector_load %arg6[%get3A_36, %get3A_37] {strides = array<i32>} : memref<2x10240xi32, #tpu.memory_space<vmem>>, vector<16xi32>,
        %get3A_39 = arith.constant 1 : i32
        %get3A_40 = arith.index_cast %get3A_39 : i32 to index
        %get3A_41 = arith.index_cast %mul3A_26 : i32 to index
        %get3A_42 = tpu.vector_load %arg6[%get3A_40, %get3A_41] {strides = array<i32>} : memref<2x10240xi32, #tpu.memory_space<vmem>>, vector<16xi32>,
        %add3A_43 = arith.addi %get3A_38, %get3A_42 : vector<16xi32>
        %swap3A_44 = arith.index_cast %mul3A_26 : i32 to index
        %swap3A_45 = tpu.vector_load %arg8[%swap3A_44] {strides = array<i32>} : memref<10240xi32, #tpu.memory_space<vmem>>, vector<16xi32>,
        tpu.vector_store %arg8[%swap3A_44], %add3A_43 {strides = array<i32>} : memref<10240xi32, #tpu.memory_space<vmem>>, vector<16xi32>,
        %gt3A = arith.constant 0 : i32
        %gt3A_46 = vector.broadcast %gt3A : i32 to vector<16xi32>
        %gt3A_47 = arith.cmpi sgt, %add3A_43, %gt3A_46 : vector<16xi32>
        %convert_element_type3A_48 = arith.extui %gt3A_47 : vector<16xi1> to vector<16xi32>
        %add3A_49 = arith.addi %scan3A_25, %convert_element_type3A_48 : vector<16xi32>
        scf.yield %add3A_49 : vector<16xi32>
      }
      %scan3A_11 = arith.constant 640 : i32
      %reduce_sum3A = arith.constant true
      %reduce_sum3A_12 = vector.broadcast %reduce_sum3A : i1 to vector<16xi1>
      %reduce_sum3A_13 = tpu.scan <sum>, %scan3A_10 masked %reduce_sum3A_12 : vector<16xi32>, vector<16xi1> -> vector<16xi32>
      %reduce_sum3A_14 = vector.extract %reduce_sum3A_13[15] : i32 from vector<16xi32>
      %eq3A_15 = arith.constant 10000 : i32
      %eq3A_16 = arith.cmpi eq, %reduce_sum3A_14, %eq3A_15 : i32
      %convert_element_type3A_17 = arith.extui %eq3A_16 : i1 to i32
      %cond3A_18 = arith.constant 0 : i32
      %cond3A_19 = arith.cmpi ne, %convert_element_type3A_17, %cond3A_18 : i32
      scf.if %cond3A_19 {
        "tpu.region"() ({
          %run_scoped3A = tpu.sem_alloc : memref<!tpu.dma_semaphore, #tpu.memory_space<semaphore_mem>>
          %dma_start3A = arith.constant 0 : i32
          %dma_start3A_24 = tpu.memref_slice %arg7[%dma_start3A] : memref<10240xf32, #tpu.memory_space<vmem>> -> memref<10000xf32, #tpu.memory_space<vmem>>
          %dma_start3A_25 = arith.constant 0 : i32
          %dma_start3A_26 = tpu.memref_slice %arg7[%dma_start3A_25] : memref<10240xf32, #tpu.memory_space<vmem>> -> memref<10000xf32, #tpu.memory_space<vmem>>
          tpu.enqueue_dma source(%dma_start3A_26 : memref<10000xf32, #tpu.memory_space<vmem>>) target(%arg4 : memref<10000xf32, #tpu.memory_space<hbm>>) target_semaphore(%run_scoped3A : memref<!tpu.dma_semaphore, #tpu.memory_space<semaphore_mem>>)
          %dma_wait3A = arith.constant 0 : i32
          %dma_wait3A_27 = tpu.memref_slice %arg7[%dma_wait3A] : memref<10240xf32, #tpu.memory_space<vmem>> -> memref<10000xf32, #tpu.memory_space<vmem>>
          %dma_wait3A_28 = arith.constant 0 : i32
          %dma_wait3A_29 = tpu.memref_slice %arg7[%dma_wait3A_28] : memref<10240xf32, #tpu.memory_space<vmem>> -> memref<10000xf32, #tpu.memory_space<vmem>>
          tpu.wait_dma2 semaphore(%run_scoped3A : memref<!tpu.dma_semaphore, #tpu.memory_space<semaphore_mem>>) src(%dma_wait3A_29 : memref<10000xf32, #tpu.memory_space<vmem>>) dst(%arg4 : memref<10000xf32, #tpu.memory_space<hbm>>)
          tpu.yield
        }) : () -> ()
      } else {
      }
      %ne3A = arith.constant 10000 : i32
      %ne3A_20 = arith.cmpi ne, %reduce_sum3A_14, %ne3A : i32
      %convert_element_type3A_21 = arith.extui %ne3A_20 : i1 to i32
      %cond3A_22 = arith.constant 0 : i32
      %cond3A_23 = arith.cmpi ne, %convert_element_type3A_21, %cond3A_22 : i32
      scf.if %cond3A_23 {
        %scan3A_24 = arith.constant 0 : i32
        %scan3A_25 = arith.constant 0 : i32
        %scan3A_26 = arith.constant 640 : i32
        %scan3A_27 = arith.addi %scan3A_25, %scan3A_26 : i32
        %scan3A_28 = arith.constant 1 : i32
        %scan3A_29 = scf.for %scan3A_37 = %scan3A_25 to %scan3A_27 step %scan3A_28 iter_args(%scan3A_38 = %scan3A_24) -> (i32)  : i32 {
          %mul3A = arith.constant 16 : i32
          %mul3A_39 = arith.muli %scan3A_37, %mul3A : i32
          %swap3A = arith.index_cast %mul3A_39 : i32 to index
          %swap3A_40 = tpu.vector_load %arg9[%swap3A] {strides = array<i32>} : memref<10240xf32, #tpu.memory_space<vmem>>, vector<16xf32>,
          tpu.vector_store %arg9[%swap3A], %broadcast_in_dim3A_0 {strides = array<i32>} : memref<10240xf32, #tpu.memory_space<vmem>>, vector<16xf32>,
          %scan3A_41 = arith.constant 0 : i32
          scf.yield %scan3A_41 : i32
        }
        %scan3A_30 = arith.constant 640 : i32
        %scan3A_31 = arith.constant 0 : i32
        %scan3A_32 = arith.constant 640 : i32
        %scan3A_33 = arith.addi %scan3A_31, %scan3A_32 : i32
        %scan3A_34 = arith.constant 1 : i32
        %scan3A_35 = scf.for %scan3A_37 = %scan3A_31 to %scan3A_33 step %scan3A_34 iter_args(%scan3A_38 = %broadcast_in_dim3A_2) -> (vector<16xi32>)  : i32 {
          %mul3A = arith.constant 16 : i32
          %mul3A_39 = arith.muli %scan3A_37, %mul3A : i32
          %get3A = arith.index_cast %mul3A_39 : i32 to index
          %get3A_40 = tpu.vector_load %arg8[%get3A] {strides = array<i32>} : memref<10240xi32, #tpu.memory_space<vmem>>, vector<16xi32>,
          %gt3A = arith.constant 0 : i32
          %gt3A_41 = vector.broadcast %gt3A : i32 to vector<16xi32>
          %gt3A_42 = arith.cmpi sgt, %get3A_40, %gt3A_41 : vector<16xi32>
          %convert_element_type3A_43 = arith.extui %gt3A_42 : vector<16xi1> to vector<16xi32>
          %broadcast_in_dim3A_44 = arith.constant true
          %broadcast_in_dim3A_45 = vector.broadcast %broadcast_in_dim3A_44 : i1 to vector<16xi1>
          %masked_cumsum3A = tpu.scan <sum>, %convert_element_type3A_43 masked %broadcast_in_dim3A_45 : vector<16xi32>, vector<16xi1> -> vector<16xi32>
          %add3A = arith.addi %scan3A_38, %masked_cumsum3A : vector<16xi32>
          %sub3A = arith.subi %add3A, %convert_element_type3A_43 : vector<16xi32>
          %mul3A_46 = arith.constant 16 : i32
          %mul3A_47 = arith.muli %scan3A_37, %mul3A_46 : i32
          %get3A_48 = arith.index_cast %mul3A_47 : i32 to index
          %get3A_49 = tpu.vector_load %arg7[%get3A_48] {strides = array<i32>} : memref<10240xf32, #tpu.memory_space<vmem>>, vector<16xf32>,
          tpu.vector_store_idx %arg9[%sub3A], %get3A_49 masked %gt3A_42 : memref<10240xf32, #tpu.memory_space<vmem>>[vector<16xi32>], vector<16xf32>, vector<16xi1>
          %broadcast_in_dim3A_50 = vector.shape_cast %broadcast_in_dim3A_4 : vector<16xi32> to vector<16x1xi32>
          %gather3A = vector.shape_cast %broadcast_in_dim3A_50 : vector<16x1xi32> to vector<16xi32>
          %gather3A_51 = tpu.dynamic_gather %masked_cumsum3A[%gather3A] in [0] : vector<16xi32>, vector<16xi32> -> vector<16xi32>
          %add3A_52 = arith.addi %scan3A_38, %gather3A_51 : vector<16xi32>
          scf.yield %add3A_52 : vector<16xi32>
        }
        %scan3A_36 = arith.constant 640 : i32
        "tpu.region"() ({
          %run_scoped3A = tpu.sem_alloc : memref<!tpu.dma_semaphore, #tpu.memory_space<semaphore_mem>>
          %dma_start3A = arith.constant 0 : i32
          %dma_start3A_37 = tpu.memref_slice %arg9[%dma_start3A] : memref<10240xf32, #tpu.memory_space<vmem>> -> memref<10000xf32, #tpu.memory_space<vmem>>
          %dma_start3A_38 = arith.constant 0 : i32
          %dma_start3A_39 = tpu.memref_slice %arg9[%dma_start3A_38] : memref<10240xf32, #tpu.memory_space<vmem>> -> memref<10000xf32, #tpu.memory_space<vmem>>
          tpu.enqueue_dma source(%dma_start3A_39 : memref<10000xf32, #tpu.memory_space<vmem>>) target(%arg4 : memref<10000xf32, #tpu.memory_space<hbm>>) target_semaphore(%run_scoped3A : memref<!tpu.dma_semaphore, #tpu.memory_space<semaphore_mem>>)
          %dma_wait3A = arith.constant 0 : i32
          %dma_wait3A_40 = tpu.memref_slice %arg9[%dma_wait3A] : memref<10240xf32, #tpu.memory_space<vmem>> -> memref<10000xf32, #tpu.memory_space<vmem>>
          %dma_wait3A_41 = arith.constant 0 : i32
          %dma_wait3A_42 = tpu.memref_slice %arg9[%dma_wait3A_41] : memref<10240xf32, #tpu.memory_space<vmem>> -> memref<10000xf32, #tpu.memory_space<vmem>>
          tpu.wait_dma2 semaphore(%run_scoped3A : memref<!tpu.dma_semaphore, #tpu.memory_space<semaphore_mem>>) src(%dma_wait3A_42 : memref<10000xf32, #tpu.memory_space<vmem>>) dst(%arg4 : memref<10000xf32, #tpu.memory_space<hbm>>)
          tpu.yield
        }) : () -> ()
      } else {
      }
    } else {
    }
    return
  }
}

#map = affine_map<(d0, d1) -> (0)>
#map1 = affine_map<(d0, d1) -> (0, 0)>
module attributes {stable_mosaic.version = 14 : i64} {
  func.func @_sc1_body(%arg0: i32, %arg1: i32, %arg2: memref<320000xf32, #tpu.memory_space<hbm>>, %arg3: memref<320000xi32, #tpu.memory_space<hbm>>, %arg4: memref<2x10240xf32, #tpu.memory_space<hbm>>, %arg5: memref<2x10240xi32, #tpu.memory_space<hbm>>, %arg6: memref<10016xi32, #tpu.memory_space<vmem>>, %arg7: memref<10000xf32, #tpu.memory_space<vmem>>, %arg8: memref<10240xf32, #tpu.memory_space<vmem>>, %arg9: memref<10240xi32, #tpu.memory_space<vmem>>, %arg10: memref<16x640xf32, #tpu.memory_space<vmem>>, %arg11: memref<16x640xi32, #tpu.memory_space<vmem>>, %arg12: memref<640xf32, #tpu.memory_space<vmem>>, %arg13: memref<640xi32, #tpu.memory_space<vmem>>, %arg14: memref<16x10240xf32, #tpu.memory_space<vmem_shared>>, %arg15: memref<16x10240xi32, #tpu.memory_space<vmem_shared>>) attributes {dimension_semantics = [#tpu.dimension_semantics<core_parallel>, #tpu.dimension_semantics<subcore_parallel>], iteration_bounds = array<i64: 2, 16>, scalar_prefetch = 0 : i64, scratch_operands = 10 : i64, tpu.core_type = #tpu.core_type<sc_vector_subcore>, window_params = [{transform_indices = #map}, {transform_indices = #map}, {transform_indices = #map1}, {transform_indices = #map1}]} {
    %mul3A = arith.constant 16 : i32
    %mul3A_0 = arith.muli %arg0, %mul3A : i32
    %add3A = arith.addi %mul3A_0, %arg1 : i32
    %mul3A_1 = arith.constant 10000 : i32
    %mul3A_2 = arith.muli %add3A, %mul3A_1 : i32
    %iota3A = tpu.iota {dimensions = array<i32: 0>} : vector<16xi32>
    %broadcast_in_dim3A = arith.constant 0.000000e+00 : f32
    %broadcast_in_dim3A_3 = vector.broadcast %broadcast_in_dim3A : f32 to vector<16xf32>
    %broadcast_in_dim3A_4 = arith.constant 0 : i32
    %broadcast_in_dim3A_5 = vector.broadcast %broadcast_in_dim3A_4 : i32 to vector<16xi32>
    %broadcast_in_dim3A_6 = arith.constant 1 : i32
    %broadcast_in_dim3A_7 = vector.broadcast %broadcast_in_dim3A_6 : i32 to vector<16xi32>
    %scan3A = arith.constant 0 : i32
    %scan3A_8 = arith.constant 0 : i32
    %scan3A_9 = arith.constant 640 : i32
    %scan3A_10 = arith.addi %scan3A_8, %scan3A_9 : i32
    %scan3A_11 = arith.constant 1 : i32
    %scan3A_12 = scf.for %scan3A_32 = %scan3A_8 to %scan3A_10 step %scan3A_11 iter_args(%scan3A_33 = %scan3A) -> (i32)  : i32 {
      %mul3A_34 = arith.constant 16 : i32
      %mul3A_35 = arith.muli %scan3A_32, %mul3A_34 : i32
      %swap3A = arith.index_cast %mul3A_35 : i32 to index
      %swap3A_36 = tpu.vector_load %arg8[%swap3A] {strides = array<i32>} : memref<10240xf32, #tpu.memory_space<vmem>>, vector<16xf32>,
      tpu.vector_store %arg8[%swap3A], %broadcast_in_dim3A_3 {strides = array<i32>} : memref<10240xf32, #tpu.memory_space<vmem>>, vector<16xf32>,
      %mul3A_37 = arith.constant 16 : i32
      %mul3A_38 = arith.muli %scan3A_32, %mul3A_37 : i32
      %swap3A_39 = arith.index_cast %mul3A_38 : i32 to index
      %swap3A_40 = tpu.vector_load %arg9[%swap3A_39] {strides = array<i32>} : memref<10240xi32, #tpu.memory_space<vmem>>, vector<16xi32>,
      tpu.vector_store %arg9[%swap3A_39], %broadcast_in_dim3A_5 {strides = array<i32>} : memref<10240xi32, #tpu.memory_space<vmem>>, vector<16xi32>,
      %scan3A_41 = arith.constant 0 : i32
      scf.yield %scan3A_41 : i32
    }
    %scan3A_13 = arith.constant 640 : i32
    "tpu.region"() ({
      %run_scoped3A = tpu.sem_alloc : memref<!tpu.dma_semaphore, #tpu.memory_space<semaphore_mem>>
      %dma_start3A = tpu.memref_slice %arg2[%mul3A_2] : memref<320000xf32, #tpu.memory_space<hbm>> -> memref<10000xf32, #tpu.memory_space<hbm>>
      %dma_start3A_32 = tpu.memref_slice %arg2[%mul3A_2] : memref<320000xf32, #tpu.memory_space<hbm>> -> memref<10000xf32, #tpu.memory_space<hbm>>
      tpu.enqueue_dma source(%dma_start3A_32 : memref<10000xf32, #tpu.memory_space<hbm>>) target(%arg7 : memref<10000xf32, #tpu.memory_space<vmem>>) target_semaphore(%run_scoped3A : memref<!tpu.dma_semaphore, #tpu.memory_space<semaphore_mem>>)
      %dma_wait3A = tpu.memref_slice %arg2[%mul3A_2] : memref<320000xf32, #tpu.memory_space<hbm>> -> memref<10000xf32, #tpu.memory_space<hbm>>
      %dma_wait3A_33 = tpu.memref_slice %arg2[%mul3A_2] : memref<320000xf32, #tpu.memory_space<hbm>> -> memref<10000xf32, #tpu.memory_space<hbm>>
      tpu.wait_dma2 semaphore(%run_scoped3A : memref<!tpu.dma_semaphore, #tpu.memory_space<semaphore_mem>>) src(%dma_wait3A_33 : memref<10000xf32, #tpu.memory_space<hbm>>) dst(%arg7 : memref<10000xf32, #tpu.memory_space<vmem>>)
      tpu.yield
    }) : () -> ()
    "tpu.region"() ({
      %run_scoped3A = tpu.sem_alloc : memref<!tpu.dma_semaphore, #tpu.memory_space<semaphore_mem>>
      %dma_start3A = arith.constant 0 : i32
      %dma_start3A_32 = tpu.memref_slice %arg6[%dma_start3A] : memref<10016xi32, #tpu.memory_space<vmem>> -> memref<10000xi32, #tpu.memory_space<vmem>>
      %dma_start3A_33 = tpu.memref_slice %arg3[%mul3A_2] : memref<320000xi32, #tpu.memory_space<hbm>> -> memref<10000xi32, #tpu.memory_space<hbm>>
      %dma_start3A_34 = arith.constant 0 : i32
      %dma_start3A_35 = tpu.memref_slice %arg6[%dma_start3A_34] : memref<10016xi32, #tpu.memory_space<vmem>> -> memref<10000xi32, #tpu.memory_space<vmem>>
      %dma_start3A_36 = tpu.memref_slice %arg3[%mul3A_2] : memref<320000xi32, #tpu.memory_space<hbm>> -> memref<10000xi32, #tpu.memory_space<hbm>>
      tpu.enqueue_dma source(%dma_start3A_36 : memref<10000xi32, #tpu.memory_space<hbm>>) target(%dma_start3A_35 : memref<10000xi32, #tpu.memory_space<vmem>>) target_semaphore(%run_scoped3A : memref<!tpu.dma_semaphore, #tpu.memory_space<semaphore_mem>>)
      %dma_wait3A = arith.constant 0 : i32
      %dma_wait3A_37 = tpu.memref_slice %arg6[%dma_wait3A] : memref<10016xi32, #tpu.memory_space<vmem>> -> memref<10000xi32, #tpu.memory_space<vmem>>
      %dma_wait3A_38 = tpu.memref_slice %arg3[%mul3A_2] : memref<320000xi32, #tpu.memory_space<hbm>> -> memref<10000xi32, #tpu.memory_space<hbm>>
      %dma_wait3A_39 = arith.constant 0 : i32
      %dma_wait3A_40 = tpu.memref_slice %arg6[%dma_wait3A_39] : memref<10016xi32, #tpu.memory_space<vmem>> -> memref<10000xi32, #tpu.memory_space<vmem>>
      %dma_wait3A_41 = tpu.memref_slice %arg3[%mul3A_2] : memref<320000xi32, #tpu.memory_space<hbm>> -> memref<10000xi32, #tpu.memory_space<hbm>>
      tpu.wait_dma2 semaphore(%run_scoped3A : memref<!tpu.dma_semaphore, #tpu.memory_space<semaphore_mem>>) src(%dma_wait3A_41 : memref<10000xi32, #tpu.memory_space<hbm>>) dst(%dma_wait3A_40 : memref<10000xi32, #tpu.memory_space<vmem>>)
      tpu.yield
    }) : () -> ()
    %parallel_loop3A = arith.constant 0 : i32
    %parallel_loop3A_14 = arith.constant 625 : i32
    %parallel_loop3A_15 = arith.constant 1 : i32
    scf.for %parallel_loop3A_32 = %parallel_loop3A to %parallel_loop3A_14 step %parallel_loop3A_15  : i32 {
      %parallel_loop3A_33 = arith.constant 16 : i32
      %parallel_loop3A_34 = arith.muli %parallel_loop3A_32, %parallel_loop3A_33 : i32
      %parallel_loop3A_35 = arith.index_cast %parallel_loop3A_34 : i32 to index
      %parallel_loop3A_36 = tpu.vector_load %arg6[%parallel_loop3A_35] {strides = array<i32>} : memref<10016xi32, #tpu.memory_space<vmem>>, vector<16xi32>,
      %parallel_loop3A_37 = arith.constant 16 : i32
      %parallel_loop3A_38 = arith.muli %parallel_loop3A_32, %parallel_loop3A_37 : i32
      %parallel_loop3A_39 = arith.constant 1 : i32
      %parallel_loop3A_40 = arith.addi %parallel_loop3A_38, %parallel_loop3A_39 : i32
      %parallel_loop3A_41 = arith.index_cast %parallel_loop3A_40 : i32 to index
      %parallel_loop3A_42 = tpu.vector_load %arg6[%parallel_loop3A_41] {strides = array<i32>} : memref<10016xi32, #tpu.memory_space<vmem>>, vector<16xi32>,
      %parallel_loop3A_43 = arith.constant 16 : i32
      %parallel_loop3A_44 = arith.muli %parallel_loop3A_32, %parallel_loop3A_43 : i32
      %parallel_loop3A_45 = arith.index_cast %parallel_loop3A_44 : i32 to index
      %parallel_loop3A_46 = tpu.vector_load %arg7[%parallel_loop3A_45] {strides = array<i32>} : memref<10000xf32, #tpu.memory_space<vmem>>, vector<16xf32>,
      %parallel_loop3A_47 = arith.cmpi ne, %parallel_loop3A_36, %parallel_loop3A_42 : vector<16xi32>
      %parallel_loop3A_48 = arith.constant 15 : i32
      %parallel_loop3A_49 = vector.broadcast %parallel_loop3A_48 : i32 to vector<16xi32>
      %parallel_loop3A_50 = arith.cmpi slt, %iota3A, %parallel_loop3A_49 : vector<16xi32>
      %parallel_loop3A_51 = arith.andi %parallel_loop3A_47, %parallel_loop3A_50 : vector<16xi1>
      %parallel_loop3A_52 = arith.constant true
      %parallel_loop3A_53 = vector.broadcast %parallel_loop3A_52 : i1 to vector<16xi1>
      %parallel_loop3A_54 = tpu.scan <sum>, %parallel_loop3A_46 masked %parallel_loop3A_53 : vector<16xf32>, vector<16xi1> -> vector<16xf32>
      %parallel_loop3A_55 = arith.constant -1 : i32
      %parallel_loop3A_56 = vector.broadcast %parallel_loop3A_55 : i32 to vector<16xi32>
      %parallel_loop3A_57 = arith.select %parallel_loop3A_51, %iota3A, %parallel_loop3A_56 : vector<16xi1>, vector<16xi32>
      %parallel_loop3A_58 = arith.constant true
      %parallel_loop3A_59 = vector.broadcast %parallel_loop3A_58 : i1 to vector<16xi1>
      %parallel_loop3A_60 = arith.constant -2147483648 : i32
      %parallel_loop3A_61 = vector.broadcast %parallel_loop3A_60 : i32 to vector<16xi32>
      %parallel_loop3A_62 = arith.xori %parallel_loop3A_57, %parallel_loop3A_61 : vector<16xi32>
      %parallel_loop3A_63 = tpu.scan <max>, %parallel_loop3A_62 masked %parallel_loop3A_59 : vector<16xi32>, vector<16xi1> -> vector<16xi32>
      %parallel_loop3A_64 = arith.xori %parallel_loop3A_63, %parallel_loop3A_61 : vector<16xi32>
      %parallel_loop3A_65 = arith.constant 1 : i32
      %parallel_loop3A_66 = vector.broadcast %parallel_loop3A_65 : i32 to vector<16xi32>
      %parallel_loop3A_67 = arith.cmpi sge, %iota3A, %parallel_loop3A_66 : vector<16xi32>
      %parallel_loop3A_68 = arith.constant 1 : i32
      %parallel_loop3A_69 = vector.broadcast %parallel_loop3A_68 : i32 to vector<16xi32>
      %parallel_loop3A_70 = arith.subi %iota3A, %parallel_loop3A_69 : vector<16xi32>
      %parallel_loop3A_71 = arith.constant 0 : i32
      %parallel_loop3A_72 = vector.broadcast %parallel_loop3A_71 : i32 to vector<16xi32>
      %parallel_loop3A_73 = arith.maxsi %parallel_loop3A_70, %parallel_loop3A_72 : vector<16xi32>
      %parallel_loop3A_74 = vector.shape_cast %parallel_loop3A_73 : vector<16xi32> to vector<16x1xi32>
      %parallel_loop3A_75 = vector.shape_cast %parallel_loop3A_74 : vector<16x1xi32> to vector<16xi32>
      %parallel_loop3A_76 = tpu.dynamic_gather %parallel_loop3A_64[%parallel_loop3A_75] in [0] : vector<16xi32>, vector<16xi32> -> vector<16xi32>
      %parallel_loop3A_77 = arith.constant -1 : i32
      %parallel_loop3A_78 = vector.broadcast %parallel_loop3A_77 : i32 to vector<16xi32>
      %parallel_loop3A_79 = arith.select %parallel_loop3A_67, %parallel_loop3A_76, %parallel_loop3A_78 : vector<16xi1>, vector<16xi32>
      %parallel_loop3A_80 = arith.constant 0 : i32
      %parallel_loop3A_81 = vector.broadcast %parallel_loop3A_80 : i32 to vector<16xi32>
      %parallel_loop3A_82 = arith.cmpi sge, %parallel_loop3A_79, %parallel_loop3A_81 : vector<16xi32>
      %parallel_loop3A_83 = arith.constant 0 : i32
      %parallel_loop3A_84 = vector.broadcast %parallel_loop3A_83 : i32 to vector<16xi32>
      %parallel_loop3A_85 = arith.maxsi %parallel_loop3A_79, %parallel_loop3A_84 : vector<16xi32>
      %parallel_loop3A_86 = vector.shape_cast %parallel_loop3A_85 : vector<16xi32> to vector<16x1xi32>
      %parallel_loop3A_87 = vector.shape_cast %parallel_loop3A_86 : vector<16x1xi32> to vector<16xi32>
      %parallel_loop3A_88 = tpu.dynamic_gather %parallel_loop3A_54[%parallel_loop3A_87] in [0] : vector<16xf32>, vector<16xi32> -> vector<16xf32>
      %parallel_loop3A_89 = arith.constant 0.000000e+00 : f32
      %parallel_loop3A_90 = vector.broadcast %parallel_loop3A_89 : f32 to vector<16xf32>
      %parallel_loop3A_91 = arith.select %parallel_loop3A_82, %parallel_loop3A_88, %parallel_loop3A_90 : vector<16xi1>, vector<16xf32>
      %parallel_loop3A_92 = arith.subf %parallel_loop3A_54, %parallel_loop3A_91 : vector<16xf32>
      %parallel_loop3A_93 = arith.constant 15 : i32
      %parallel_loop3A_94 = vector.broadcast %parallel_loop3A_93 : i32 to vector<16xi32>
      %parallel_loop3A_95 = arith.cmpi eq, %iota3A, %parallel_loop3A_94 : vector<16xi32>
      %parallel_loop3A_96 = arith.ori %parallel_loop3A_51, %parallel_loop3A_95 : vector<16xi1>
      tpu.vector_store_idx %arg8[%parallel_loop3A_36], %parallel_loop3A_92 masked %parallel_loop3A_96 {add = true} : memref<10240xf32, #tpu.memory_space<vmem>>[vector<16xi32>], vector<16xf32>, vector<16xi1>
      tpu.vector_store_idx %arg9[%parallel_loop3A_36], %broadcast_in_dim3A_7 masked %parallel_loop3A_96 {add = true} : memref<10240xi32, #tpu.memory_space<vmem>>[vector<16xi32>], vector<16xi32>, vector<16xi1>
    } {sc.loop_unroll_factor = 4 : i64, sc.parallel_access}
    "tpu.region"() ({
      %run_scoped3A = tpu.sem_alloc : memref<!tpu.dma_semaphore, #tpu.memory_space<semaphore_mem>>
      %dma_start3A = arith.constant 0 : i32
      %dma_start3A_32 = tpu.memref_slice %arg14[%arg1, %dma_start3A] : memref<16x10240xf32, #tpu.memory_space<vmem_shared>> -> memref<1x10240xf32, #tpu.memory_space<vmem_shared>>
      %dma_start3A_33 = tpu.memref_squeeze %dma_start3A_32 : memref<1x10240xf32, #tpu.memory_space<vmem_shared>> -> memref<10240xf32, #tpu.memory_space<vmem_shared>>
      %dma_start3A_34 = arith.constant 0 : i32
      %dma_start3A_35 = tpu.memref_slice %arg14[%arg1, %dma_start3A_34] : memref<16x10240xf32, #tpu.memory_space<vmem_shared>> -> memref<1x10240xf32, #tpu.memory_space<vmem_shared>>
      %dma_start3A_36 = tpu.memref_squeeze %dma_start3A_35 : memref<1x10240xf32, #tpu.memory_space<vmem_shared>> -> memref<10240xf32, #tpu.memory_space<vmem_shared>>
      tpu.enqueue_dma source(%arg8 : memref<10240xf32, #tpu.memory_space<vmem>>) target(%dma_start3A_36 : memref<10240xf32, #tpu.memory_space<vmem_shared>>) target_semaphore(%run_scoped3A : memref<!tpu.dma_semaphore, #tpu.memory_space<semaphore_mem>>)
      %dma_wait3A = arith.constant 0 : i32
      %dma_wait3A_37 = tpu.memref_slice %arg14[%arg1, %dma_wait3A] : memref<16x10240xf32, #tpu.memory_space<vmem_shared>> -> memref<1x10240xf32, #tpu.memory_space<vmem_shared>>
      %dma_wait3A_38 = tpu.memref_squeeze %dma_wait3A_37 : memref<1x10240xf32, #tpu.memory_space<vmem_shared>> -> memref<10240xf32, #tpu.memory_space<vmem_shared>>
      %dma_wait3A_39 = arith.constant 0 : i32
      %dma_wait3A_40 = tpu.memref_slice %arg14[%arg1, %dma_wait3A_39] : memref<16x10240xf32, #tpu.memory_space<vmem_shared>> -> memref<1x10240xf32, #tpu.memory_space<vmem_shared>>
      %dma_wait3A_41 = tpu.memref_squeeze %dma_wait3A_40 : memref<1x10240xf32, #tpu.memory_space<vmem_shared>> -> memref<10240xf32, #tpu.memory_space<vmem_shared>>
      tpu.wait_dma2 semaphore(%run_scoped3A : memref<!tpu.dma_semaphore, #tpu.memory_space<semaphore_mem>>) src(%arg8 : memref<10240xf32, #tpu.memory_space<vmem>>) dst(%dma_wait3A_41 : memref<10240xf32, #tpu.memory_space<vmem_shared>>)
      tpu.yield
    }) : () -> ()
    "tpu.region"() ({
      %run_scoped3A = tpu.sem_alloc : memref<!tpu.dma_semaphore, #tpu.memory_space<semaphore_mem>>
      %dma_start3A = arith.constant 0 : i32
      %dma_start3A_32 = tpu.memref_slice %arg15[%arg1, %dma_start3A] : memref<16x10240xi32, #tpu.memory_space<vmem_shared>> -> memref<1x10240xi32, #tpu.memory_space<vmem_shared>>
      %dma_start3A_33 = tpu.memref_squeeze %dma_start3A_32 : memref<1x10240xi32, #tpu.memory_space<vmem_shared>> -> memref<10240xi32, #tpu.memory_space<vmem_shared>>
      %dma_start3A_34 = arith.constant 0 : i32
      %dma_start3A_35 = tpu.memref_slice %arg15[%arg1, %dma_start3A_34] : memref<16x10240xi32, #tpu.memory_space<vmem_shared>> -> memref<1x10240xi32, #tpu.memory_space<vmem_shared>>
      %dma_start3A_36 = tpu.memref_squeeze %dma_start3A_35 : memref<1x10240xi32, #tpu.memory_space<vmem_shared>> -> memref<10240xi32, #tpu.memory_space<vmem_shared>>
      tpu.enqueue_dma source(%arg9 : memref<10240xi32, #tpu.memory_space<vmem>>) target(%dma_start3A_36 : memref<10240xi32, #tpu.memory_space<vmem_shared>>) target_semaphore(%run_scoped3A : memref<!tpu.dma_semaphore, #tpu.memory_space<semaphore_mem>>)
      %dma_wait3A = arith.constant 0 : i32
      %dma_wait3A_37 = tpu.memref_slice %arg15[%arg1, %dma_wait3A] : memref<16x10240xi32, #tpu.memory_space<vmem_shared>> -> memref<1x10240xi32, #tpu.memory_space<vmem_shared>>
      %dma_wait3A_38 = tpu.memref_squeeze %dma_wait3A_37 : memref<1x10240xi32, #tpu.memory_space<vmem_shared>> -> memref<10240xi32, #tpu.memory_space<vmem_shared>>
      %dma_wait3A_39 = arith.constant 0 : i32
      %dma_wait3A_40 = tpu.memref_slice %arg15[%arg1, %dma_wait3A_39] : memref<16x10240xi32, #tpu.memory_space<vmem_shared>> -> memref<1x10240xi32, #tpu.memory_space<vmem_shared>>
      %dma_wait3A_41 = tpu.memref_squeeze %dma_wait3A_40 : memref<1x10240xi32, #tpu.memory_space<vmem_shared>> -> memref<10240xi32, #tpu.memory_space<vmem_shared>>
      tpu.wait_dma2 semaphore(%run_scoped3A : memref<!tpu.dma_semaphore, #tpu.memory_space<semaphore_mem>>) src(%arg9 : memref<10240xi32, #tpu.memory_space<vmem>>) dst(%dma_wait3A_41 : memref<10240xi32, #tpu.memory_space<vmem_shared>>)
      tpu.yield
    }) : () -> ()
    %barrier3A = arith.constant 0 : index
    tpu.barrier barrier_id(%barrier3A)
    %mul3A_16 = arith.constant 640 : i32
    %mul3A_17 = arith.muli %arg1, %mul3A_16 : i32
    "tpu.region"() ({
      %run_scoped3A = tpu.sem_alloc : memref<!tpu.dma_semaphore, #tpu.memory_space<semaphore_mem>>
      %dma_start3A = arith.constant 0 : i32
      %dma_start3A_32 = tpu.memref_slice %arg14[%dma_start3A, %mul3A_17] : memref<16x10240xf32, #tpu.memory_space<vmem_shared>> -> memref<16x640xf32, #tpu.memory_space<vmem_shared>>
      %dma_start3A_33 = arith.constant 0 : i32
      %dma_start3A_34 = tpu.memref_slice %arg14[%dma_start3A_33, %mul3A_17] : memref<16x10240xf32, #tpu.memory_space<vmem_shared>> -> memref<16x640xf32, #tpu.memory_space<vmem_shared>>
      tpu.enqueue_dma source(%dma_start3A_34 : memref<16x640xf32, #tpu.memory_space<vmem_shared>>) target(%arg10 : memref<16x640xf32, #tpu.memory_space<vmem>>) target_semaphore(%run_scoped3A : memref<!tpu.dma_semaphore, #tpu.memory_space<semaphore_mem>>)
      %dma_wait3A = arith.constant 0 : i32
      %dma_wait3A_35 = tpu.memref_slice %arg14[%dma_wait3A, %mul3A_17] : memref<16x10240xf32, #tpu.memory_space<vmem_shared>> -> memref<16x640xf32, #tpu.memory_space<vmem_shared>>
      %dma_wait3A_36 = arith.constant 0 : i32
      %dma_wait3A_37 = tpu.memref_slice %arg14[%dma_wait3A_36, %mul3A_17] : memref<16x10240xf32, #tpu.memory_space<vmem_shared>> -> memref<16x640xf32, #tpu.memory_space<vmem_shared>>
      tpu.wait_dma2 semaphore(%run_scoped3A : memref<!tpu.dma_semaphore, #tpu.memory_space<semaphore_mem>>) src(%dma_wait3A_37 : memref<16x640xf32, #tpu.memory_space<vmem_shared>>) dst(%arg10 : memref<16x640xf32, #tpu.memory_space<vmem>>)
      tpu.yield
    }) : () -> ()
    "tpu.region"() ({
      %run_scoped3A = tpu.sem_alloc : memref<!tpu.dma_semaphore, #tpu.memory_space<semaphore_mem>>
      %dma_start3A = arith.constant 0 : i32
      %dma_start3A_32 = tpu.memref_slice %arg15[%dma_start3A, %mul3A_17] : memref<16x10240xi32, #tpu.memory_space<vmem_shared>> -> memref<16x640xi32, #tpu.memory_space<vmem_shared>>
      %dma_start3A_33 = arith.constant 0 : i32
      %dma_start3A_34 = tpu.memref_slice %arg15[%dma_start3A_33, %mul3A_17] : memref<16x10240xi32, #tpu.memory_space<vmem_shared>> -> memref<16x640xi32, #tpu.memory_space<vmem_shared>>
      tpu.enqueue_dma source(%dma_start3A_34 : memref<16x640xi32, #tpu.memory_space<vmem_shared>>) target(%arg11 : memref<16x640xi32, #tpu.memory_space<vmem>>) target_semaphore(%run_scoped3A : memref<!tpu.dma_semaphore, #tpu.memory_space<semaphore_mem>>)
      %dma_wait3A = arith.constant 0 : i32
      %dma_wait3A_35 = tpu.memref_slice %arg15[%dma_wait3A, %mul3A_17] : memref<16x10240xi32, #tpu.memory_space<vmem_shared>> -> memref<16x640xi32, #tpu.memory_space<vmem_shared>>
      %dma_wait3A_36 = arith.constant 0 : i32
      %dma_wait3A_37 = tpu.memref_slice %arg15[%dma_wait3A_36, %mul3A_17] : memref<16x10240xi32, #tpu.memory_space<vmem_shared>> -> memref<16x640xi32, #tpu.memory_space<vmem_shared>>
      tpu.wait_dma2 semaphore(%run_scoped3A : memref<!tpu.dma_semaphore, #tpu.memory_space<semaphore_mem>>) src(%dma_wait3A_37 : memref<16x640xi32, #tpu.memory_space<vmem_shared>>) dst(%arg11 : memref<16x640xi32, #tpu.memory_space<vmem>>)
      tpu.yield
    }) : () -> ()
    %scan3A_18 = arith.constant 0 : i32
    %scan3A_19 = arith.constant 0 : i32
    %scan3A_20 = arith.constant 40 : i32
    %scan3A_21 = arith.addi %scan3A_19, %scan3A_20 : i32
    %scan3A_22 = arith.constant 1 : i32
    %scan3A_23 = scf.for %scan3A_32 = %scan3A_19 to %scan3A_21 step %scan3A_22 iter_args(%scan3A_33 = %scan3A_18) -> (i32)  : i32 {
      %mul3A_34 = arith.constant 16 : i32
      %mul3A_35 = arith.muli %scan3A_32, %mul3A_34 : i32
      %swap3A = arith.index_cast %mul3A_35 : i32 to index
      %swap3A_36 = tpu.vector_load %arg12[%swap3A] {strides = array<i32>} : memref<640xf32, #tpu.memory_space<vmem>>, vector<16xf32>,
      tpu.vector_store %arg12[%swap3A], %broadcast_in_dim3A_3 {strides = array<i32>} : memref<640xf32, #tpu.memory_space<vmem>>, vector<16xf32>,
      %mul3A_37 = arith.constant 16 : i32
      %mul3A_38 = arith.muli %scan3A_32, %mul3A_37 : i32
      %swap3A_39 = arith.index_cast %mul3A_38 : i32 to index
      %swap3A_40 = tpu.vector_load %arg13[%swap3A_39] {strides = array<i32>} : memref<640xi32, #tpu.memory_space<vmem>>, vector<16xi32>,
      tpu.vector_store %arg13[%swap3A_39], %broadcast_in_dim3A_5 {strides = array<i32>} : memref<640xi32, #tpu.memory_space<vmem>>, vector<16xi32>,
      %scan3A_41 = arith.constant 0 : i32
      scf.yield %scan3A_41 : i32
    }
    %scan3A_24 = arith.constant 40 : i32
    %scan3A_25 = arith.constant 0 : i32
    %scan3A_26 = arith.constant 0 : i32
    %scan3A_27 = arith.constant 16 : i32
    %scan3A_28 = arith.addi %scan3A_26, %scan3A_27 : i32
    %scan3A_29 = arith.constant 1 : i32
    %scan3A_30 = scf.for %scan3A_32 = %scan3A_26 to %scan3A_28 step %scan3A_29 iter_args(%scan3A_33 = %scan3A_25) -> (i32)  : i32 {
      %scan3A_34 = arith.constant 0 : i32
      %scan3A_35 = arith.constant 0 : i32
      %scan3A_36 = arith.constant 40 : i32
      %scan3A_37 = arith.addi %scan3A_35, %scan3A_36 : i32
      %scan3A_38 = arith.constant 1 : i32
      %scan3A_39 = scf.for %scan3A_42 = %scan3A_35 to %scan3A_37 step %scan3A_38 iter_args(%scan3A_43 = %scan3A_34) -> (i32)  : i32 {
        %mul3A_44 = arith.constant 16 : i32
        %mul3A_45 = arith.muli %scan3A_42, %mul3A_44 : i32
        %get3A = arith.index_cast %mul3A_45 : i32 to index
        %get3A_46 = tpu.vector_load %arg12[%get3A] {strides = array<i32>} : memref<640xf32, #tpu.memory_space<vmem>>, vector<16xf32>,
        %mul3A_47 = arith.constant 16 : i32
        %mul3A_48 = arith.muli %scan3A_42, %mul3A_47 : i32
        %get3A_49 = arith.index_cast %scan3A_32 : i32 to index
        %get3A_50 = arith.index_cast %mul3A_48 : i32 to index
        %get3A_51 = tpu.vector_load %arg10[%get3A_49, %get3A_50] {strides = array<i32>} : memref<16x640xf32, #tpu.memory_space<vmem>>, vector<16xf32>,
        %add3A_52 = arith.addf %get3A_46, %get3A_51 : vector<16xf32>
        %mul3A_53 = arith.constant 16 : i32
        %mul3A_54 = arith.muli %scan3A_42, %mul3A_53 : i32
        %swap3A = arith.index_cast %mul3A_54 : i32 to index
        %swap3A_55 = tpu.vector_load %arg12[%swap3A] {strides = array<i32>} : memref<640xf32, #tpu.memory_space<vmem>>, vector<16xf32>,
        tpu.vector_store %arg12[%swap3A], %add3A_52 {strides = array<i32>} : memref<640xf32, #tpu.memory_space<vmem>>, vector<16xf32>,
        %mul3A_56 = arith.constant 16 : i32
        %mul3A_57 = arith.muli %scan3A_42, %mul3A_56 : i32
        %get3A_58 = arith.index_cast %mul3A_57 : i32 to index
        %get3A_59 = tpu.vector_load %arg13[%get3A_58] {strides = array<i32>} : memref<640xi32, #tpu.memory_space<vmem>>, vector<16xi32>,
        %mul3A_60 = arith.constant 16 : i32
        %mul3A_61 = arith.muli %scan3A_42, %mul3A_60 : i32
        %get3A_62 = arith.index_cast %scan3A_32 : i32 to index
        %get3A_63 = arith.index_cast %mul3A_61 : i32 to index
        %get3A_64 = tpu.vector_load %arg11[%get3A_62, %get3A_63] {strides = array<i32>} : memref<16x640xi32, #tpu.memory_space<vmem>>, vector<16xi32>,
        %add3A_65 = arith.addi %get3A_59, %get3A_64 : vector<16xi32>
        %mul3A_66 = arith.constant 16 : i32
        %mul3A_67 = arith.muli %scan3A_42, %mul3A_66 : i32
        %swap3A_68 = arith.index_cast %mul3A_67 : i32 to index
        %swap3A_69 = tpu.vector_load %arg13[%swap3A_68] {strides = array<i32>} : memref<640xi32, #tpu.memory_space<vmem>>, vector<16xi32>,
        tpu.vector_store %arg13[%swap3A_68], %add3A_65 {strides = array<i32>} : memref<640xi32, #tpu.memory_space<vmem>>, vector<16xi32>,
        %scan3A_70 = arith.constant 0 : i32
        scf.yield %scan3A_70 : i32
      }
      %scan3A_40 = arith.constant 40 : i32
      %scan3A_41 = arith.constant 0 : i32
      scf.yield %scan3A_41 : i32
    }
    %scan3A_31 = arith.constant 16 : i32
    "tpu.region"() ({
      %run_scoped3A = tpu.sem_alloc : memref<!tpu.dma_semaphore, #tpu.memory_space<semaphore_mem>>
      %dma_start3A = tpu.memref_slice %arg4[%arg0, %mul3A_17] : memref<2x10240xf32, #tpu.memory_space<hbm>> -> memref<1x640xf32, #tpu.memory_space<hbm>>
      %dma_start3A_32 = tpu.memref_squeeze %dma_start3A : memref<1x640xf32, #tpu.memory_space<hbm>> -> memref<640xf32, #tpu.memory_space<hbm>>
      %dma_start3A_33 = tpu.memref_slice %arg4[%arg0, %mul3A_17] : memref<2x10240xf32, #tpu.memory_space<hbm>> -> memref<1x640xf32, #tpu.memory_space<hbm>>
      %dma_start3A_34 = tpu.memref_squeeze %dma_start3A_33 : memref<1x640xf32, #tpu.memory_space<hbm>> -> memref<640xf32, #tpu.memory_space<hbm>>
      tpu.enqueue_dma source(%arg12 : memref<640xf32, #tpu.memory_space<vmem>>) target(%dma_start3A_34 : memref<640xf32, #tpu.memory_space<hbm>>) target_semaphore(%run_scoped3A : memref<!tpu.dma_semaphore, #tpu.memory_space<semaphore_mem>>)
      %dma_wait3A = tpu.memref_slice %arg4[%arg0, %mul3A_17] : memref<2x10240xf32, #tpu.memory_space<hbm>> -> memref<1x640xf32, #tpu.memory_space<hbm>>
      %dma_wait3A_35 = tpu.memref_squeeze %dma_wait3A : memref<1x640xf32, #tpu.memory_space<hbm>> -> memref<640xf32, #tpu.memory_space<hbm>>
      %dma_wait3A_36 = tpu.memref_slice %arg4[%arg0, %mul3A_17] : memref<2x10240xf32, #tpu.memory_space<hbm>> -> memref<1x640xf32, #tpu.memory_space<hbm>>
      %dma_wait3A_37 = tpu.memref_squeeze %dma_wait3A_36 : memref<1x640xf32, #tpu.memory_space<hbm>> -> memref<640xf32, #tpu.memory_space<hbm>>
      tpu.wait_dma2 semaphore(%run_scoped3A : memref<!tpu.dma_semaphore, #tpu.memory_space<semaphore_mem>>) src(%arg12 : memref<640xf32, #tpu.memory_space<vmem>>) dst(%dma_wait3A_37 : memref<640xf32, #tpu.memory_space<hbm>>)
      tpu.yield
    }) : () -> ()
    "tpu.region"() ({
      %run_scoped3A = tpu.sem_alloc : memref<!tpu.dma_semaphore, #tpu.memory_space<semaphore_mem>>
      %dma_start3A = tpu.memref_slice %arg5[%arg0, %mul3A_17] : memref<2x10240xi32, #tpu.memory_space<hbm>> -> memref<1x640xi32, #tpu.memory_space<hbm>>
      %dma_start3A_32 = tpu.memref_squeeze %dma_start3A : memref<1x640xi32, #tpu.memory_space<hbm>> -> memref<640xi32, #tpu.memory_space<hbm>>
      %dma_start3A_33 = tpu.memref_slice %arg5[%arg0, %mul3A_17] : memref<2x10240xi32, #tpu.memory_space<hbm>> -> memref<1x640xi32, #tpu.memory_space<hbm>>
      %dma_start3A_34 = tpu.memref_squeeze %dma_start3A_33 : memref<1x640xi32, #tpu.memory_space<hbm>> -> memref<640xi32, #tpu.memory_space<hbm>>
      tpu.enqueue_dma source(%arg13 : memref<640xi32, #tpu.memory_space<vmem>>) target(%dma_start3A_34 : memref<640xi32, #tpu.memory_space<hbm>>) target_semaphore(%run_scoped3A : memref<!tpu.dma_semaphore, #tpu.memory_space<semaphore_mem>>)
      %dma_wait3A = tpu.memref_slice %arg5[%arg0, %mul3A_17] : memref<2x10240xi32, #tpu.memory_space<hbm>> -> memref<1x640xi32, #tpu.memory_space<hbm>>
      %dma_wait3A_35 = tpu.memref_squeeze %dma_wait3A : memref<1x640xi32, #tpu.memory_space<hbm>> -> memref<640xi32, #tpu.memory_space<hbm>>
      %dma_wait3A_36 = tpu.memref_slice %arg5[%arg0, %mul3A_17] : memref<2x10240xi32, #tpu.memory_space<hbm>> -> memref<1x640xi32, #tpu.memory_space<hbm>>
      %dma_wait3A_37 = tpu.memref_squeeze %dma_wait3A_36 : memref<1x640xi32, #tpu.memory_space<hbm>> -> memref<640xi32, #tpu.memory_space<hbm>>
      tpu.wait_dma2 semaphore(%run_scoped3A : memref<!tpu.dma_semaphore, #tpu.memory_space<semaphore_mem>>) src(%arg13 : memref<640xi32, #tpu.memory_space<vmem>>) dst(%dma_wait3A_37 : memref<640xi32, #tpu.memory_space<hbm>>)
      tpu.yield
    }) : () -> ()
    return
  }
}

module attributes {stable_mosaic.version = 14 : i64} {
  func.func @_mv_body(%arg0: i32, %arg1: memref<32000x128xf32, #tpu.memory_space<vmem>>, %arg2: memref<128x128xf32, #tpu.memory_space<vmem>>, %arg3: memref<1x128xf32, #tpu.memory_space<vmem>>, %arg4: memref<1x128xf32, #tpu.memory_space<vmem>>, %arg5: memref<1x1xf32, #tpu.memory_space<vmem>>, %arg6: memref<1x250x128xf32, #tpu.memory_space<vmem>>) attributes {dimension_semantics = [#tpu.dimension_semantics<arbitrary>], iteration_bounds = array<i64: 10>, scalar_prefetch = 0 : i64, scratch_operands = 0 : i64, tpu.core_type = #tpu.core_type<tc>, window_params = [{transform_indices = @transform_0, window_bounds = array<i64: 32000, 128>}, {pipeline_mode = #tpu.pipeline_mode<synchronous>, transform_indices = @transform_1, window_bounds = array<i64: 128, 128>}, {pipeline_mode = #tpu.pipeline_mode<synchronous>, transform_indices = @transform_2, window_bounds = array<i64: 1, 128>}, {pipeline_mode = #tpu.pipeline_mode<synchronous>, transform_indices = @transform_3, window_bounds = array<i64: 1, 128>}, {pipeline_mode = #tpu.pipeline_mode<synchronous>, transform_indices = @transform_4, window_bounds = array<i64: 1, 1>}, {transform_indices = @transform_5, window_bounds = array<i64: 1, 250, 128>}]} {
    %get3A = arith.constant 0 : index
    %get3A_0 = arith.constant 0 : index
    %get3A_1 = vector.load %arg4[%get3A, %get3A_0] : memref<1x128xf32, #tpu.memory_space<vmem>>, vector<1x128xf32>
    %get3A_2 = arith.constant 0 : index
    %get3A_3 = arith.constant 0 : index
    %get3A_4 = vector.load %arg2[%get3A_2, %get3A_3] : memref<128x128xf32, #tpu.memory_space<vmem>>, vector<128x128xf32>
    %dot_general3A = arith.constant dense<0.000000e+00> : vector<1x128xf32>
    %dot_general3A_5 = tpu.matmul %get3A_1, %get3A_4, %dot_general3A {dimension_numbers = #tpu.dot_dimension_numbers<[1], [0], [0], [1], [0, 0, 1, 1], [], []>, transpose_lhs_hint = false} : vector<1x128xf32>, vector<128x128xf32>, vector<1x128xf32> -> vector<1x128xf32>
    %get3A_6 = arith.constant 0 : index
    %get3A_7 = arith.constant 0 : index
    %get3A_8 = vector.load %arg4[%get3A_6, %get3A_7] : memref<1x128xf32, #tpu.memory_space<vmem>>, vector<1x128xf32>
    %get3A_9 = arith.constant 0 : index
    %get3A_10 = arith.constant 0 : index
    %get3A_11 = vector.load %arg3[%get3A_9, %get3A_10] : memref<1x128xf32, #tpu.memory_space<vmem>>, vector<1x128xf32>
    %mul3A = arith.mulf %get3A_8, %get3A_11 : vector<1x128xf32>
    %reduce_sum3A = vector.shape_cast %mul3A : vector<1x128xf32> to vector<1x1x128xf32>
    %reduce_sum3A_12 = arith.constant dense<0.000000e+00> : vector<1xf32>
    %reduce_sum3A_13 = vector.multi_reduction <add>, %reduce_sum3A, %reduce_sum3A_12 [1, 2] : vector<1x1x128xf32> to vector<1xf32>
    %reduce_sum3A_14 = vector.shape_cast %reduce_sum3A_13 : vector<1xf32> to vector<1x1x1xf32>
    %reduce_sum3A_15 = vector.extract %reduce_sum3A_14[0, 0, 0] : f32 from vector<1x1x1xf32>
    %get3A_16 = arith.constant 0 : index
    %get3A_17 = arith.constant 0 : index
    %get3A_18 = vector.load %arg5[%get3A_16, %get3A_17] : memref<1x1xf32, #tpu.memory_space<vmem>>, vector<1x1xf32>
    %get3A_19 = vector.extract %get3A_18[0, 0] : f32 from vector<1x1xf32>
    %add3A = arith.addf %reduce_sum3A_15, %get3A_19 : f32
    %get3A_20 = arith.constant 0 : index
    %get3A_21 = arith.constant 0 : index
    %get3A_22 = vector.load %arg1[%get3A_20, %get3A_21] : memref<32000x128xf32, #tpu.memory_space<vmem>>, vector<32000x128xf32>
    %mul3A_23 = vector.broadcast %dot_general3A_5 : vector<1x128xf32> to vector<32000x128xf32>
    %mul3A_24 = arith.mulf %get3A_22, %mul3A_23 : vector<32000x128xf32>
    %reduce_sum3A_25 = arith.constant dense<0.000000e+00> : vector<32000xf32>
    %reduce_sum3A_26 = vector.multi_reduction <add>, %mul3A_24, %reduce_sum3A_25 [1] : vector<32000x128xf32> to vector<32000xf32>
    %add3A_27 = vector.broadcast %add3A : f32 to vector<32000xf32>
    %add3A_28 = arith.addf %reduce_sum3A_26, %add3A_27 : vector<32000xf32>
    %reshape3A = vector.shape_cast %add3A_28 : vector<32000xf32> to vector<1x250x128xf32>
    %swap3A = arith.constant 0 : index
    %swap3A_29 = arith.constant 0 : index
    %swap3A_30 = arith.constant 0 : index
    %swap3A_31 = vector.load %arg6[%swap3A, %swap3A_29, %swap3A_30] : memref<1x250x128xf32, #tpu.memory_space<vmem>>, vector<1x250x128xf32>
    tpu.vector_store %arg6[%swap3A, %swap3A_29, %swap3A_30], %reshape3A {strides = array<i32>} : memref<1x250x128xf32, #tpu.memory_space<vmem>>, vector<1x250x128xf32>,
    return
  }
  func.func @transform_0(%arg0: i32) -> (i32, i32) {
    %c0_i32 = arith.constant 0 : i32
    %c0_i32_0 = arith.constant 0 : i32
    return %arg0, %c0_i32 : i32, i32
  }
  func.func @transform_1(%arg0: i32) -> (i32, i32) {
    %c0_i32 = arith.constant 0 : i32
    %c0_i32_0 = arith.constant 0 : i32
    %c0_i32_1 = arith.constant 0 : i32
    return %c0_i32, %c0_i32_0 : i32, i32
  }
  func.func @transform_2(%arg0: i32) -> (i32, i32) {
    %c0_i32 = arith.constant 0 : i32
    %c0_i32_0 = arith.constant 0 : i32
    %c0_i32_1 = arith.constant 0 : i32
    return %c0_i32, %c0_i32_0 : i32, i32
  }
  func.func @transform_3(%arg0: i32) -> (i32, i32) {
    %c0_i32 = arith.constant 0 : i32
    %c0_i32_0 = arith.constant 0 : i32
    %c0_i32_1 = arith.constant 0 : i32
    return %c0_i32, %c0_i32_0 : i32, i32
  }
  func.func @transform_4(%arg0: i32) -> (i32, i32) {
    %c0_i32 = arith.constant 0 : i32
    %c0_i32_0 = arith.constant 0 : i32
    %c0_i32_1 = arith.constant 0 : i32
    return %c0_i32, %c0_i32_0 : i32, i32
  }
  func.func @transform_5(%arg0: i32) -> (i32, i32, i32) {
    %c0_i32 = arith.constant 0 : i32
    %c0_i32_0 = arith.constant 0 : i32
    %c0_i32_1 = arith.constant 0 : i32
    return %arg0, %c0_i32, %c0_i32_0 : i32, i32, i32
  }
}

</mosaic_0001>

<sc_bundles>
// kernel: kernel.5.cloned.1.call-start
scs
__scs_entry_jumppad:
0x0: {  	(pc) =	sbr.rel $0x88, $3  }
0x1: {  	(tag) =	ssettag $0x0;
	lr =	simm.s32 $0x1  }
0x2: {  	[smem:$0x3F9B] =	sst lr;
	_ =	strace $0xD0000000  }
0x3: {  	_ = 	snop  }
0x4: {  	_ = 	snop  }
0x5: {  	_ = 	snop  }
0x6: {  	_ = 	snop  }
0x7: {  	_ = 	snop  }
__scs_overlays_trampoline_lowered:
0x8: {  	[smem:$0x3FAA] =	sst s0  }
0x9: {  	[smem:$0x3FAB] =	sst s1  }
0xa: {  	[smem:$0x3FAC] =	sst s2  }
0xb: {  	[smem:$0x3FAD] =	sst s3  }
0xc: {  	[smem:$0x3FAE] =	sst s4  }
0xd: {  	[smem:$0x3FAF] =	sst s5  }
0xe: {  	[smem:$0x3FB0] =	sst s6  }
0xf: {  	[smem:$0x3FB1] =	sst s7  }
0x10: {  	[smem:$0x3FB2] =	sst s8  }
0x11: {  	[smem:$0x3FB3] =	sst s9;
	s0 =	simm.s32 @!p0 $0x0  }
0x12: {  	s1 =	sld [smem:$0x3F99];
	s0 =	simm.s32 @p0 $0x1  }
0x13: {  	[smem:$0x3FB4] =	sst s0;
	s0 =	simm.s32 @!p1 $0x0  }
0x14: {  	s2 =	sld [smem:$0x3F98];
	s0 =	simm.s32 @p1 $0x1  }
0x15: {  	[smem:$0x3FB5] =	sst s0;
	s0 =	simm.s32 @!p2 $0x0  }
0x16: {  	s3 =	sld [smem:$0x3FDB];
	s0 =	simm.s32 @p2 $0x1  }
0x17: {  	s4 =	simm.s32 $0x1BF5;
	[smem:$0x3FB7] =	sst s0  }
0x18: {  	s0 =	sld [smem:$0x3F9A];
	_ =	swait.ge [sflag:s4], $0x0  }
0x19: {  	s7 =	sld [smem:$0x3F9B]  }
0x1a: {  	s8 =	sadd.s32 $0xFFFFE003, lr  }
0x1b: {  	s9 =	sadd.s32 $0xFFFFFEF7, lr;
	s5 =	simm.s32 $0xFFFFFFFF;
	p2 =	slt.u32 s8, $0xFFFFF086  }
0x1c: {  	p1 =	slt.u32 s9, $0xF7A;
	s5 =	simm.s32 @!p2 $0x0  }
0x1d: {  	s5 =	simm.s32 @p1 $0x1;
	p0 =	seq.s32 s7, s2  }
0x1e: {  	s7 =	smul.u32 @!p0 $0xF7A, s2;
	p2 =	seq.s32 @!p0 s5, $0x0  }
0x1f: {  	s9 =	smul.u32 $0xF7A, s1;
	s8 =	simm.s32 @!p0 $0x1BF5;
	p2 =	por !p2, p0  }
0x20: {  	[sflag:s8] =	ssyncset.s32 @!p0 $0xFFFFF086;
	s6 =	sadd.s32 @!p0 s3, s7;
	s7 =	simm.s32 @!p0 $0x108  }
0x21: {  	s3 =	sadd.s32 s3, s9;
	s6 =	sadd.s32 @!p0 $0x88, s6;
	s7 =	simm.s32 @p2 $0x1082  }
0x22: {  	[simem:s7], [sflag:s8] =	dma.local @!p0 [hbm:s6], $0xF7A  }
0x23: {  	s9 =	sor.u32 $0xD0000000, s2;
	s6 =	simm.s32 $0x108;
	_ =	swait.ge @!p0 [sflag:s8], $0x0  }
0x24: {  	s3 =	sadd.s32 $0x88, s3;
	s6 =	simm.s32 @!p1 $0x1082;
	[sflag:s4] =	ssyncset.s32 $0xFFFFF086  }
0x25: {  	[simem:s6], [sflag:s4] =	dma.local [hbm:s3], $0xF7A  }
0x26: {  	[smem:$0x3F9B] =	sst s1;
	(tag) =	ssettag s2;
	_ =	strace s9  }
0x27: {  	s1 =	sld [smem:$0x3FAB]  }
0x28: {  	s2 =	sld [smem:$0x3FAC]  }
0x29: {  	s4 =	sld [smem:$0x3FAE]  }
0x2a: {  	p0 =	seq.s32 s5, $0x0;
	s5 =	sld [smem:$0x3FAF]  }
0x2b: {  	s6 =	sld [smem:$0x3FB0]  }
0x2c: {  	s7 =	sld [smem:$0x3FB1]  }
0x2d: {  	s3 =	simm.s32 $0x108;
	s8 =	sld [smem:$0x3FB2]  }
0x2e: {  	s3 =	simm.s32 @!p0 $0x1082;
	s9 =	sld [smem:$0x3FB3]  }
0x2f: {  	lr =	sadd.s32 s0, s3;
	s0 =	sld [smem:$0x3FAA]  }
0x30: {  	s3 =	sld [smem:$0x3FAD]  }
0x31: {  	[smem:$0x3FB6] =	sst s10  }
0x32: {  	s10 =	sld [smem:$0x3FB4];
	_ =	sdelay $0x3  }
0x33: {  	p0 =	seq.s32 s10, $0x1;
	s10 =	sld [smem:$0x3FB6];
	_ =	sdelay $0x3  }
0x34: {  	[smem:$0x3FB6] =	sst s10  }
0x35: {  	s10 =	sld [smem:$0x3FB5];
	_ =	sdelay $0x3  }
0x36: {  	p1 =	seq.s32 s10, $0x1;
	s10 =	sld [smem:$0x3FB6];
	_ =	sdelay $0x3  }
0x37: {  	[smem:$0x3FB6] =	sst s10  }
0x38: {  	s10 =	sld [smem:$0x3FB7]  }
0x39: {  	_ = 	snop;
	(pc) =	sbr.ind lr, $3  }
0x3a: {  	_ = 	snop  }
0x3b: {  	_ = 	snop  }
0x3c: {  	p2 =	seq.s32 s10, $0x1;
	s10 =	sld [smem:$0x3FB6]  }
0x3d: {  	_ =	shalt  }
0x3e: {  	_ =	shalt  }
0x3f: {  	_ =	shalt  }
0x40: {  	_ =	shalt  }
0x41: {  	_ =	shalt  }
0x42: {  	_ =	shalt  }
0x43: {  	_ =	shalt  }
0x44: {  	_ =	shalt  }
0x45: {  	_ =	shalt  }
0x46: {  	_ =	shalt  }
0x47: {  	_ =	shalt  }
0x48: {  	_ =	shalt  }
0x49: {  	_ =	shalt  }
0x4a: {  	_ =	shalt  }
0x4b: {  	_ =	shalt  }
0x4c: {  	_ =	shalt  }
0x4d: {  	_ =	shalt  }
0x4e: {  	_ =	shalt  }
0x4f: {  	_ =	shalt  }
0x50: {  	_ =	shalt  }
0x51: {  	_ =	shalt  }
0x52: {  	_ =	shalt  }
0x53: {  	_ =	shalt  }
0x54: {  	_ =	shalt  }
0x55: {  	_ =	shalt  }
0x56: {  	_ =	shalt  }
0x57: {  	_ =	shalt  }
0x58: {  	_ =	shalt  }
0x59: {  	_ =	shalt  }
0x5a: {  	_ =	shalt  }
0x5b: {  	_ =	shalt  }
0x5c: {  	_ =	shalt  }
0x5d: {  	_ =	shalt  }
0x5e: {  	_ =	shalt  }
0x5f: {  	_ =	shalt  }
0x60: {  	_ =	shalt  }
0x61: {  	_ =	shalt  }
0x62: {  	_ =	shalt  }
0x63: {  	_ =	shalt  }
0x64: {  	_ =	shalt  }
0x65: {  	_ =	shalt  }
0x66: {  	_ =	shalt  }
0x67: {  	_ =	shalt  }
0x68: {  	_ =	shalt  }
0x69: {  	_ =	shalt  }
0x6a: {  	_ =	shalt  }
0x6b: {  	_ =	shalt  }
0x6c: {  	_ =	shalt  }
0x6d: {  	_ =	shalt  }
0x6e: {  	_ =	shalt  }
0x6f: {  	_ =	shalt  }
0x70: {  	_ =	shalt  }
0x71: {  	_ =	shalt  }
0x72: {  	_ =	shalt  }
0x73: {  	_ =	shalt  }
0x74: {  	_ =	shalt  }
0x75: {  	_ =	shalt  }
0x76: {  	_ =	shalt  }
0x77: {  	_ =	shalt  }
0x78: {  	_ =	shalt  }
0x79: {  	_ =	shalt  }
0x7a: {  	_ =	shalt  }
0x7b: {  	_ =	shalt  }
0x7c: {  	_ =	shalt  }
0x7d: {  	_ =	shalt  }
0x7e: {  	_ =	shalt  }
0x7f: {  	_ =	shalt  }
0x80: {  	_ =	shalt  }
0x81: {  	_ =	shalt  }
0x82: {  	_ =	shalt  }
0x83: {  	_ =	shalt  }
0x84: {  	_ =	shalt  }
0x85: {  	_ =	shalt  }
0x86: {  	_ =	shalt  }
0x87: {  	_ =	shalt  }
.Lfunc_end0:
.L_simem_size_0:
called_computation_lowered:
.L_overlay_start_0:
0x88: {  	s2 =	sld [smem:$0x3FD9]  }
0x89: {  	s3 =	sld [smem:$0x3FFE];
	_ =	sdelay $0x1  }
0x8a: {  	s1 =	srdreg.scid  }
0x8b: {  	s0 =	sand.u32 $0x1, s1  }
0x8c: {  	s17 =	sshll.u32 s0, $0xA;
	s2 =	sadd.s32 s3, s2  }
0x8d: {  	s2 =	sadd.s32 s2, s17  }
0x8e: {  	[smem:$0x3FC2] =	sst s2  }
0x8f: {  	_ = 	snop  }
0x90: {  	s2 =	sld [smem:$0x3FC8];
	(tm) =	ssettm $0x1  }
0x91: {  	s18 =	sld [smem:$0x3FFB];
	_ =	sdelay $0x3  }
0x92: {  	_ =	strace s18  }
0x93: {  	s3 =	sld [smem:$0x3FFC];
	_ =	sdelay $0x3  }
0x94: {  	_ =	strace s3  }
0x95: {  	s3 =	sld [smem:$0x3FFD];
	_ =	sdelay $0x3  }
0x96: {  	_ =	strace s3  }
0x97: {  	_ =	strace $0x8FFFFFFF  }
0x98: {  	s19 =	sld [smem:$0x3FDB];
	_ =	sdelay $0x1  }
0x99: {  	s4 =	simm.s32 $_scs_section_size  }
0x9a: {  	s5 =	simm.s32 $_size__tile_overlayer_lowered;
	s6 =	simm.s32 $_tile_overlayer_lowered  }
0x9b: {  	s22 =	simm.s32 $0x1BFF;
	s21 =	sshll.u32 s6, $0x1;
	s3 =	sadd.s32 s4, s19  }
0x9c: {  	s7 =	simm.s32 $0x0;
	s20 =	sshll.u32 s5, $0x1;
	s5 =	sadd.s32 s21, s3  }
0x9d: {  	[timem:s7], [sflag:s22] =	dma.local [hbm:s5], s20  }
0x9e: {  	_ =	swait.ge [sflag:s22], s20  }
0x9f: {  	s4 =	ssub.s32 $0x0, s20;
	[sflag:s22] =	ssyncset.done $0x0  }
0xa0: {  	[sflag:s22] =	ssyncadd.s32 s4;
	_ =	sdelay $0x1  }
0xa1: {  	s23 =	simm.s32 $0x1B8B  }
0xa2: {  	_ =	swait.ge [sflag:s23], $0x1  }
0xa3: {  	[sflag:s23] =	ssyncset.done $0x0  }
0xa4: {  	s25 =	simm.s32 $0x1B8E;
	s24 =	sld [smem:$0x3FFE];
	[sflag:s23] =	ssyncadd.s32 $0xFFFFFFFF  }
0xa5: {  	s26 =	simm.s32 $execute0_lowered;
	[smem:$0x3FD2] =	sst s25  }
0xa6: {  	s5 =	sshll.u32 s26, $0x1;
	_ =	strace $0x80000046;
	[dreg:$0x1] =	wrdreg $0xFFFFFFFF  }
0xa7: {  	s28 =	simm.s32 $_size_execute0_lowered;
	s3 =	sadd.s32 s3, s5;
	[dreg:$0x0] =	wrdreg $0x0  }
0xa8: {  	s5 =	sshll.u32 s28, $0x1;
	[dreg:$0x2] =	wrdreg s3  }
0xa9: {  	[dreg:$0x3] =	wrdreg s5  }
0xaa: {  	[dreg:$0x4] =	wrdreg $0xC0  }
0xab: {  	_ =	task [dreg:s7], $0x5FFFF  }
0xac: {  	[dreg:$0x1] =	wrdreg $0xFFFFFFFF  }
0xad: {  	[dreg:$0x0] =	wrdreg $0x60  }
0xae: {  	[dreg:$0x2] =	wrdreg s24  }
0xaf: {  	[dreg:$0x3] =	wrdreg s2  }
0xb0: {  	[dreg:$0x4] =	wrdreg $0xF4000  }
0xb1: {  	[dreg:$0x5] =	wrdreg $0x11C000  }
0xb2: {  	[dreg:$0x6] =	wrdreg $0x9  }
0xb3: {  	_ =	task.clear_ibuf [dreg:s7], $0x7FFFF;
	_ =	strace $0x90000046  }
0xb4: {  	s29 =	simm.s32 $0x9;
	_ =	strace $0x80000048  }
0xb5: {  	_ =	swait.ge [sflag:s29], $0x1  }
0xb6: {  	[sflag:s29] =	ssyncadd.s32 $0xFFFFFFFF  }
0xb7: {  	_ =	strace $0x90000048  }
0xb8: {  	_ =	sfence  }
0xb9: {  	s30 =	sld [smem:$0x0];
	_ =	sdelay $0x2  }
0xba: {  	s31 =	sshll.u32 s1, $0xD;
	s1 =	sshrl.u32 s1, $0x2  }
0xbb: {  	s3 =	sand.u32 $0x4000, s31;
	s1 =	sadd.s32 s1, s30  }
0xbc: {  	s0 =	sor.u32 s3, s0;
	s1 =	sshll.u32 s1, $0x11  }
0xbd: {  	s0 =	sor.u32 s1, s0  }
0xbe: {  	s0 =	sadd.s32 $0x8F2B, s0  }
0xbf: {  	[sflag:s0] =	ssyncadd.remote.s32 $0x1  }
0xc0: {  	_ =	sfence.sel $0xFFFF  }
0xc1: {  	[dreg:$0x0] =	wrdreg $0xFFFFFFFF;
	(pc) =	sbr.abs _section_cstart, $3  }
0xc2: {  	[dreg:$0x1] =	wrdreg $0xFFFFFFFF  }
0xc3: {  	_ =	task.clear_ibuf [dreg:s7], $0x2FFFF;
	_ =	strace $0x9FFFFFFF  }
0xc4: {  	(tm) =	ssettm $0x7FFFFFFF  }
0xc5: {  	_ =	shalt  }
tec
execute0_lowered:
.L_overlay_start_1:
0x0: {  	(tag) =	ssettag $0x1  }
0x1: {  	s0 =	rddreg [dreg:$0x0]  }
0x2: {  	v0 =	vimm.s32 $0x7FFFFFFF;
	vm0 =	vcmask $0x300;
	s1 =	rddreg [dreg:$0x1]  }
0x3: {  	s2 =	srdreg.scid;
	s7 =	rddreg [dreg:$0x2];
	v0 =	vsel vm0, $0x80000000, v0;
	vm0 =	vcmask $0x704  }
0x4: {  	s8 =	rddreg [dreg:$0x3];
	s12 =	stileid.u32;
	v1 =	vimm.s32 $0xEDCBA987;
	v0 =	vsel vm0, $0x80000001, v0;
	vm0 =	vcmask $0xB08  }
0x5: {  	s13 =	simm.s32 $0x1;
	s14 =	simm.s32 $0x4F00;
	s15 =	simm.s32 $0x7700;
	v0 =	vsel vm0, $0x80000002, v0;
	vm0 =	vcmask $0xF0C  }
0x6: {  	s16 =	simm.s32 $0x80;
	s17 =	simm.s32 $0x400;
	s18 =	simm.s32 $0x1400;
	v0 =	vsel vm0, $0x80000003, v0;
	vm0 =	vcmask $0x1310  }
0x7: {  	s19 =	simm.s32 $0x14000;
	s22 =	simm.s32 $0x100;
	s23 =	simm.s32 $0xEF00;
	v0 =	vsel vm0, $0x80000004, v0;
	vm0 =	vcmask $0x1714  }
0x8: {  	s24 =	simm.s32 $0xF180;
	s3 =	sand.u32 $0x1, s2;
	s5 =	smul.u32 $0x500, s12;
	v0 =	vsel vm0, $0x80000005, v0;
	vm0 =	vcmask $0x1B18  }
0x9: {  	s28 =	sshrl.u32 s12, $0x3;
	s10 =	sshll.u32 s12, $0x7;
	s30 =	smul.u32 $0x1400, s12;
	v0 =	vsel vm0, $0x80000006, v0;
	vm0 =	vcmask $0x1F1C  }
0xa: {  	v2 =	vimm.s32 $0x65432100;
	s2 =	sshll.u32 s3, $0x4;
	s6 =	sshll.u32 s3, $0x7;
	s3 =	ssub.s32 $0x2, s3;
	v0 =	vsel vm0, $0x80000007, v0;
	vm0 =	vcmask $0x2320  }
0xb: {  	v1 =	vunpack.c.l.s4.s8 v1;
	s29 =	sand.u32 $0x380, s10;
	s4 =	sor.u32 s12, s2;
	s2 =	simm.s32 $0x0;
	v0 =	vsel vm0, $0x80000008, v0;
	vm0 =	vcmask $0x2724  }
0xc: {  	v2 =	vunpack.c.l.s4.s8 v2;
	s5 =	sor.u32 s6, s5;
	s9 =	sshrl.u32 s3, $0x1;
	s4 =	smul.u32 $0x4E2, s4;
	v0 =	vsel vm0, $0x80000009, v0;
	vm0 =	vcmask $0x2B28  }
0xd: {  	v1 =	vunpack.c.0.s8.s32 v1;
	[smem:$0x7FF] =	sst s2;
	s5 =	sshrl.u32 s5, $0x3;
	s11 =	ssub.s32 s3, s9;
	v0 =	vsel vm0, $0x8000000A, v0;
	vm0 =	vcmask $0x2F2C  }
0xe: {  	v4 =	vunpack.c.0.s8.s32 v2;
	s26 =	sadd.s32 s4, s0;
	s0 =	sadd.s32 s5, s0;
	s5 =	smul.u32 $0x14000, s28;
	v0 =	vsel vm0, $0x8000000B, v0;
	vm0 =	vcmask $0x3330  }
0xf: {  	s25 =	simm.s32 $0x0;
	_ =	strace $0x80000047;
	s11 =	smax.u32 s11, $0x1;
	v5 =	vand.u32 $0xF, v1;
	v0 =	vsel vm0, $0x8000000C, v0;
	vm0 =	vcmask $0x3734  }
0x10: {  	v1 =	vimm.s32 $0x0;
	s4 =	sadd.s32 s1, s4;
	s3 =	sadd.s32 $0x1200, s26;
	s31 =	sor.u32 s29, s5;
	v3 =	vsel vm0, $0x8000000D, v0;
	vm0 =	vcmask $0x3B38  }
0x11: {  	s9 =	sadd.s32 $0xB000, s0;
	s10 =	sadd.s32 $0xBA00, s0;
	s5 =	sadd.s32 s31, s7;
	v0 =	vimm.f32 $0.0e+00;
	v2 =	vsel vm0, $0x8000000E, v3;
	v3 =	vcombine.low v4, v5  }
0x12: {  	s6 =	sadd.s32 s31, s8;
	s7 =	sadd.s32 s30, s7;
	s8 =	sadd.s32 s30, s8;
	v4 =	vlaneseq.u32;
	vm0 =	vcmask $0x3F3C;
	v5 =	vimm.s32 $0x1  }
.LBB2_1:
0x13: {  	s0 =	simm.s32 $0x40;
	s1 =	simm.s32 $0x0  }
.LBB2_2:
0x14: {  	p0 =	sne.s32 s0, $0x9FC0;
	[tilespmem:s1+$0x4F00] =	vst v0;
	s12 =	smov.u32 s0;
	s0 =	sadd.s32 $0x40, s0  }
.Ltmp0:
0x15: {  	[tilespmem:s1+$0x7700] =	vst v1;
	(pc) =	sbr.rel @p0 .LBB2_2-.Ltmp0, $2  }
0x16: {  	_ =	sdelay $0x2  }
0x17: {  	s1 =	sshra.s32 s12, $0x2  }
0x18: {  	[tilespmem:s1+$0x4F00] =	vst v0  }
0x19: {  	[tilespmem:s1+$0x7700] =	vst v1;
	s0 =	simm.s32 $0x2780  }
0x1a: {  	[tilespmem:s0], [sflag:$0x1] =	stream.linear.gather [hbm4b:s3+s2], $0x2710, $0x38;
	[tilespmem:$0x14400] =	vst v63  }
0x1b: {  	_ =	swait.ge [sflag:s13], $0x2710  }
0x1c: {  	[sflag:s13] =	ssyncset.done $0x0  }
0x1d: {  	[sflag:s13] =	ssyncadd.s32 $0xFFFFD8F0  }
0x1e: {  	[tilespmem:s2], [sflag:$0x1] =	stream.linear.gather [hbm4b:s4+s2], $0x2710, $0x38;
	[tilespmem:$0x14400] =	vst v63  }
0x1f: {  	_ =	swait.ge [sflag:s13], $0x2710  }
0x20: {  	[sflag:s13] =	ssyncset.done $0x0  }
0x21: {  	s26 =	simm.s32 $0x27A0;
	[sflag:s13] =	ssyncadd.s32 $0xFFFFD8F0  }
0x22: {  	s30 =	simm.s32 $0x20;
	v9 =	vld [tilespmem:s26+$0x10]  }
0x23: {  	v10 =	vld [tilespmem:s30+$0x11]  }
0x24: {  	v23 =	vld [tilespmem:s30+$0x10]  }
0x25: {  	v11 =	vld [tilespmem:s30+$0x1]  }
0x26: {  	v7 =	vld [tilespmem:s30+$0x0]  }
0x27: {  	v12 =	vld [tilespmem:s30+$0xFFFFFFF1]  }
0x28: {  	v8 =	vld [tilespmem:s30+$0xFFFFFFF0]  }
0x29: {  	v6 =	vld [tilespmem:s30+$0xFFFFFFE0]  }
0x2a: {  	v13 =	vld [tilespmem:s30+$0xFFFFFFE1]  }
0x2b: {  	vm3 =	vne.s32 v23, v10  }
0x2c: {  	v10 =	vnsel vm3, $0x7FFFFFFF, v2  }
0x2d: {  	vm1 =	vne.s32 v7, v11;
	(xrf0) =	vmax.scan.msk.u32 $0xffff, v10  }
0x2e: {  	(xrf2) =	vadd.scan.msk.f32 $0xffff, v9;
	vm4 =	vne.s32 v8, v12;
	v9 =	vnsel vm1, $0x7FFFFFFF, v2  }
0x2f: {  	vm5 =	vne.s32 v6, v13;
	v10 =	vld [tilespmem:s26+$0xFFFFFFE0];
	(xrf0) =	vmax.scan.msk.u32 $0xffff, v9;
	v9 =	vnsel vm4, $0x7FFFFFFF, v2  }
0x30: {  	v11 =	vld [tilespmem:s26+$0x0];
	(xrf0) =	vmax.scan.msk.u32 $0xffff, v9;
	v9 =	vnsel vm5, $0x7FFFFFFF, v2  }
0x31: {  	v12 =	vld [tilespmem:s26+$0xFFFFFFF0];
	(xrf0) =	vmax.scan.msk.u32 $0xffff, v9;
	_ =	sdelay $0x1  }
0x32: {  	v9, _, _ =	vpop (xrf0)  }
0x33: {  	s26 =	simm.s32 $0x60;
	(xrf2) =	vadd.scan.msk.f32 $0xffff, v10;
	v9 =	vxor.u32 $0x80000000, v9  }
0x34: {  	vm2 =	veq.s32 v4, $0x0;
	vm1 =	vmor vm1, vm0;
	v15 =	vld [tilespmem:s26+$0x11];
	(xrf2) =	vadd.scan.msk.f32 $0xffff, v11;
	v10, _, _ =	vpop (xrf0);
	v9 =	vperm.xlane v9, v3  }
0x35: {  	s31 =	simm.s32 $0x27E0;
	vm12 =	vmor vm3, vm0;
	vm4 =	vmor vm4, vm0;
	(xrf2) =	vadd.scan.msk.f32 $0xffff, v12;
	v12 =	vld [tilespmem:s26+$0x10];
	v10 =	vxor.u32 $0x80000000, v10;
	v14, _, _ =	vpop (xrf0)  }
0x36: {  	v13 =	vld [tilespmem:s31+$0x10];
	v10 =	vperm.xlane v10, v3;
	v14 =	vxor.u32 $0x80000000, v14;
	v16, _, _ =	vpop (xrf0);
	v11 =	vsel vm2, $0xFFFFFFFF, v9  }
0x37: {  	v18 =	vld [tilespmem:s26+$0x1];
	v14 =	vperm.xlane v14, v3;
	v16 =	vxor.u32 $0x80000000, v16;
	vm7 =	vgt.s32 v11, $0x0  }
0x38: {  	v21 =	vld [tilespmem:s26+$0xFFFFFFF1];
	v17, _, _ =	vpop (xrf2);
	vm6 =	vgt.s32 v11, $0xFFFFFFFF;
	v10 =	vsel vm2, $0xFFFFFFFF, v10;
	v11 =	vnsel vm7, $0x0, v11  }
0x39: {  	v16 =	vperm.xlane v16, v3;
	vm8 =	vgt.s32 v10, $0x0;
	v20 =	vperm.xlane v17, v11;
	v11 =	vld [tilespmem:s26+$0x0]  }
0x3a: {  	v25 =	vld [tilespmem:s26+$0xFFFFFFE1];
	v14 =	vsel vm2, $0xFFFFFFFF, v14;
	vm10 =	vgt.s32 v10, $0xFFFFFFFF;
	vm3 =	vne.s32 v12, v15  }
0x3b: {  	v19 =	vnsel vm8, $0x0, v10;
	vm8 =	vgt.s32 v14, $0xFFFFFFFF;
	vm7 =	vgt.s32 v14, $0x0;
	v10 =	vld [tilespmem:s26+$0xFFFFFFF0]  }
0x3c: {  	v9 =	vld [tilespmem:s26+$0xFFFFFFE0];
	v22 =	vsel vm2, $0xFFFFFFFF, v16;
	v24 =	vnsel vm7, $0x0, v14;
	v16 =	vnsel vm6, $0x0, v20  }
0x3d: {  	(xrf2) =	vadd.scan.msk.f32 $0xffff, v13;
	v13 =	vld [tilespmem:s31+$0xFFFFFFF0];
	vm7 =	vgt.s32 v22, $0x0;
	vm11 =	vgt.s32 v22, $0xFFFFFFFF;
	v20 =	vnsel vm3, $0x7FFFFFFF, v2  }
0x3e: {  	v14 =	vld [tilespmem:s31+$0x0];
	v15, _, _ =	vpop (xrf2);
	v26 =	vnsel vm7, $0x0, v22;
	v27 =	vsub.f32 v17, v16;
	(xrf0) =	vmax.scan.msk.u32 $0xffff, v20;
	vm9 =	vne.s32 v11, v18  }
0x3f: {  	vm7 =	vmor vm5, vm0;
	v17 =	vld [tilespmem:s31+$0xFFFFFFE0];
	v18 =	vperm.xlane v15, v26;
	v16, _, _ =	vpop (xrf2);
	v63 =	vnsel vm9, $0x7FFFFFFF, v2  }
0x40: {  	vm5 =	vne.s32 v10, v21;
	[tilespmem:v23+s14+$0x0] =	vst.idx.add.f32.msk vm12, v27;
	v20 =	vperm.xlane v16, v19;
	v19, _, _ =	vpop (xrf2);
	(xrf0) =	vmax.scan.msk.u32 $0xffff, v63  }
0x41: {  	s28 =	simm.s32 $0x4;
	s29 =	simm.s32 $0x2820;
	vm6 =	vne.s32 v9, v25;
	v22 =	vnsel vm5, $0x7FFFFFFF, v2;
	[tilespmem:v23+s15+$0x0] =	vst.idx.add.s32.msk vm12, v5;
	v21 =	vperm.xlane v19, v24  }
.LBB2_4:
0x42: {  	v23 =	vld [tilespmem:s29+$0x10];
	s28 =	sadd.s32 $0x4, s28;
	v24 =	vnsel vm6, $0x7FFFFFFF, v2;
	s26 =	sadd.s32 $0x40, s26;
	(xrf0) =	vmax.scan.msk.u32 $0xffff, v22;
	v18 =	vnsel vm11, $0x0, v18;
	v20 =	vnsel vm10, $0x0, v20;
	v25 =	vmovc v12  }
0x43: {  	v22 =	vld [tilespmem:s26+$0x11];
	p0 =	slt.u32 s28, $0x26C;
	(xrf0) =	vmax.scan.msk.u32 $0xffff, v24;
	v12 =	vsub.f32 v15, v18;
	v15 =	vnsel vm8, $0x0, v21  }
0x44: {  	v16 =	vsub.f32 v16, v20;
	v18 =	vld [tilespmem:s26+$0xFFFFFFE0];
	(xrf2) =	vadd.scan.msk.f32 $0xffff, v17;
	v17, _, _ =	vpop (xrf0);
	v15 =	vsub.f32 v19, v15  }
0x45: {  	v19 =	vxor.u32 $0x80000000, v17;
	[tilespmem:v6+s14+$0x0] =	vst.idx.add.f32.msk vm7, v12  }
0x46: {  	v19 =	vperm.xlane v19, v3;
	v17, _, _ =	vpop (xrf0);
	[tilespmem:v7+s14+$0x0] =	vst.idx.add.f32.msk vm1, v16  }
0x47: {  	v16 =	vxor.u32 $0x80000000, v17;
	(xrf2) =	vadd.scan.msk.f32 $0xffff, v14;
	v17, _, _ =	vpop (xrf2);
	[tilespmem:v7+s15+$0x0] =	vst.idx.add.s32.msk vm1, v5;
	v7 =	vmov v11  }
0x48: {  	vm1 =	vmor vm9, vm0;
	v11 =	vperm.xlane v16, v3;
	v14 =	vsel vm2, $0xFFFFFFFF, v19;
	v12, _, _ =	vpop (xrf0);
	[tilespmem:v8+s14+$0x0] =	vst.idx.add.f32.msk vm4, v15  }
0x49: {  	v12 =	vxor.u32 $0x80000000, v12;
	vm9 =	vgt.s32 v14, $0xFFFFFFFF;
	vm8 =	vgt.s32 v14, $0x0;
	v15, _, _ =	vpop (xrf0);
	[tilespmem:v8+s15+$0x0] =	vst.idx.add.s32.msk vm4, v5  }
0x4a: {  	v16 =	vperm.xlane v12, v3;
	v19 =	vsel vm2, $0xFFFFFFFF, v11;
	(xrf2) =	vadd.scan.msk.f32 $0xffff, v13;
	[tilespmem:v6+s15+$0x0] =	vst.idx.add.s32.msk vm7, v5;
	v6 =	vmovc v9  }
0x4b: {  	v8 =	vmovc v10;
	v13 =	vxor.u32 $0x80000000, v15;
	v11 =	vnsel vm8, $0x0, v14;
	v9 =	vmovc v18;
	v12 =	vld [tilespmem:s26+$0x10];
	vm4 =	vgt.s32 v19, $0x0  }
0x4c: {  	v14 =	vperm.xlane v17, v11;
	v18 =	vld [tilespmem:s26+$0x1];
	v10 =	vsel vm2, $0xFFFFFFFF, v16;
	v20 =	vnsel vm4, $0x0, v19  }
0x4d: {  	v13 =	vperm.xlane v13, v3;
	v11 =	vld [tilespmem:s26+$0x0];
	vm8 =	vgt.s32 v10, $0xFFFFFFFF;
	vm4 =	vgt.s32 v10, $0x0  }
0x4e: {  	vm12 =	vmor vm3, vm0;
	vm10 =	vgt.s32 v19, $0xFFFFFFFF;
	v21 =	vld [tilespmem:s26+$0xFFFFFFF1];
	v24 =	vnsel vm4, $0x0, v10;
	v15, _, _ =	vpop (xrf2)  }
0x4f: {  	v19 =	vsel vm2, $0xFFFFFFFF, v13;
	v13 =	vnsel vm9, $0x0, v14;
	vm4 =	vmor vm5, vm0;
	v10 =	vld [tilespmem:s26+$0xFFFFFFF0]  }
0x50: {  	vm5 =	vgt.s32 v19, $0x0;
	v26 =	vld [tilespmem:s26+$0xFFFFFFE1];
	vm3 =	vne.s32 v12, v22  }
.Ltmp1:
0x51: {  	v27 =	vsub.f32 v17, v13;
	v14 =	vld [tilespmem:s29+$0x0];
	v22 =	vnsel vm3, $0x7FFFFFFF, v2;
	(xrf2) =	vadd.scan.msk.f32 $0xffff, v23;
	v23 =	vnsel vm5, $0x0, v19;
	v16, _, _ =	vpop (xrf2);
	(pc) =	sbr.rel @p0 .LBB2_4-.Ltmp1, $4  }
0x52: {  	vm7 =	vmor vm6, vm0;
	v13 =	vld [tilespmem:s29+$0xFFFFFFF0];
	vm9 =	vne.s32 v11, v18;
	(xrf0) =	vmax.scan.msk.u32 $0xffff, v22;
	v18 =	vperm.xlane v15, v23  }
0x53: {  	vm11 =	vgt.s32 v19, $0xFFFFFFFF;
	v20 =	vperm.xlane v16, v20;
	v17 =	vld [tilespmem:s29+$0xFFFFFFE0];
	v22 =	vnsel vm9, $0x7FFFFFFF, v2  }
0x54: {  	vm5 =	vne.s32 v10, v21;
	(xrf0) =	vmax.scan.msk.u32 $0xffff, v22;
	[tilespmem:v25+s14+$0x0] =	vst.idx.add.f32.msk vm12, v27;
	v19, _, _ =	vpop (xrf2)  }
0x55: {  	s29 =	sadd.s32 $0x40, s29;
	vm6 =	vne.s32 v9, v26;
	v22 =	vnsel vm5, $0x7FFFFFFF, v2;
	v21 =	vperm.xlane v19, v24;
	[tilespmem:v25+s15+$0x0] =	vst.idx.add.s32.msk vm12, v5  }
0x56: {  	v23 =	vnsel vm6, $0x7FFFFFFF, v2;
	(xrf0) =	vmax.scan.msk.u32 $0xffff, v22  }
0x57: {  	(xrf0) =	vmax.scan.msk.u32 $0xffff, v23;
	_ =	sdelay $0x1  }
0x58: {  	v18 =	vnsel vm11, $0x0, v18;
	(xrf2) =	vadd.scan.msk.f32 $0xffff, v17  }
0x59: {  	v20 =	vnsel vm10, $0x0, v20;
	vm2 =	veq.s32 v4, $0x0;
	vm3 =	vmor vm3, vm0;
	v44, _, _ =	vpop (xrf0);
	(xrf2) =	vadd.scan.msk.f32 $0xffff, v14  }
0x5a: {  	v45 =	vsub.f32 v15, v18;
	v46 =	vnsel vm8, $0x0, v21;
	v17 =	vxor.u32 $0x80000000, v44;
	v47, _, _ =	vpop (xrf0)  }
0x5b: {  	v16 =	vsub.f32 v16, v20;
	v17 =	vperm.xlane v17, v3;
	(xrf2) =	vadd.scan.msk.f32 $0xffff, v13;
	v18 =	vxor.u32 $0x80000000, v47;
	v48, _, _ =	vpop (xrf0)  }
0x5c: {  	vm8 =	vmor vm9, vm0;
	v15 =	vsub.f32 v19, v46;
	v49 =	vperm.xlane v18, v3;
	v50, _, _ =	vpop (xrf0)  }
0x5d: {  	v17 =	vsel vm2, $0xFFFFFFFF, v17;
	v19 =	vxor.u32 $0x80000000, v48;
	v18 =	vxor.u32 $0x80000000, v50  }
0x5e: {  	vm14 =	vgt.s32 v17, $0x0;
	vm15 =	vgt.s32 v17, $0xFFFFFFFF;
	v18 =	vperm.xlane v18, v3  }
0x5f: {  	v19 =	vperm.xlane v19, v3;
	v13 =	vsel vm2, $0xFFFFFFFF, v49;
	v17 =	vnsel vm14, $0x0, v17  }
0x60: {  	[tilespmem:v6+s14+$0x0] =	vst.idx.add.f32.msk vm7, v45;
	v51, _, _ =	vpop (xrf2);
	vm14 =	vmor vm6, vm0;
	vm12 =	vgt.s32 v13, $0x0;
	v18 =	vsel vm2, $0xFFFFFFFF, v18  }
0x61: {  	[tilespmem:v7+s14+$0x0] =	vst.idx.add.f32.msk vm1, v16;
	v17 =	vperm.xlane v51, v17;
	v52 =	vsel vm2, $0xFFFFFFFF, v19;
	vm13 =	vgt.s32 v18, $0x0  }
0x62: {  	[tilespmem:v7+s15+$0x0] =	vst.idx.add.s32.msk vm1, v5;
	v53 =	vnsel vm12, $0x0, v13;
	vm1 =	vgt.s32 v52, $0x0;
	v7, _, _ =	vpop (xrf2);
	v54 =	vnsel vm13, $0x0, v18  }
0x63: {  	[tilespmem:v8+s14+$0x0] =	vst.idx.add.f32.msk vm4, v15;
	v17 =	vnsel vm15, $0x0, v17;
	v55 =	vnsel vm1, $0x0, v52;
	v56, _, _ =	vpop (xrf2);
	v19 =	vperm.xlane v7, v54  }
0x64: {  	[tilespmem:v6+s15+$0x0] =	vst.idx.add.s32.msk vm7, v5;
	v57 =	vsub.f32 v51, v17;
	vm1 =	vgt.s32 v18, $0xFFFFFFFF;
	v16 =	vperm.xlane v56, v53  }
0x65: {  	vm5 =	vmor vm5, vm0;
	[tilespmem:v8+s15+$0x0] =	vst.idx.add.s32.msk vm4, v5;
	vm15 =	vgt.s32 v13, $0xFFFFFFFF;
	v6, _, _ =	vpop (xrf2);
	v58 =	vnsel vm1, $0x0, v19  }
0x66: {  	[tilespmem:v12+s14+$0x0] =	vst.idx.add.f32.msk vm3, v57;
	v59 =	vperm.xlane v6, v55;
	v60 =	vnsel vm15, $0x0, v16;
	v7 =	vsub.f32 v7, v58  }
0x67: {  	[tilespmem:v12+s15+$0x0] =	vst.idx.add.s32.msk vm3, v5;
	vm1 =	vgt.s32 v52, $0xFFFFFFFF;
	v61 =	vsub.f32 v56, v60  }
0x68: {  	v8 =	vnsel vm1, $0x0, v59;
	[tilespmem:v9+s14+$0x0] =	vst.idx.add.f32.msk vm14, v7  }
0x69: {  	v6 =	vsub.f32 v6, v8;
	[tilespmem:v11+s14+$0x0] =	vst.idx.add.f32.msk vm8, v61  }
0x6a: {  	[tilespmem:v11+s15+$0x0] =	vst.idx.add.s32.msk vm8, v5  }
0x6b: {  	[tilespmem:v10+s14+$0x0] =	vst.idx.add.f32.msk vm5, v6  }
0x6c: {  	[tilespmem:v9+s15+$0x0] =	vst.idx.add.s32.msk vm14, v5  }
0x6d: {  	[tilespmem:v10+s15+$0x0] =	vst.idx.add.s32.msk vm5, v5  }
0x6e: {  	v6 =	vld [tilespmem:$0x2700]  }
0x6f: {  	v7 =	vld [tilespmem:$0x2701];
	_ =	sdelay $0x3  }
0x70: {  	v62 =	vld [tilespmem:$0x4E80]  }
0x71: {  	vm1 =	vne.s32 v6, v7  }
0x72: {  	v7 =	vnsel vm1, $0x7FFFFFFF, v2  }
0x73: {  	(xrf0) =	vmax.scan.msk.u32 $0xffff, v7;
	_ =	sdelay $0x1  }
0x74: {  	(xrf2) =	vadd.scan.msk.f32 $0xffff, v62;
	_ =	sdelay $0x3  }
0x75: {  	v7, _, _ =	vpop (xrf0)  }
0x76: {  	v7 =	vxor.u32 $0x80000000, v7  }
0x77: {  	v7 =	vperm.xlane v7, v3;
	_ =	sdelay $0x1  }
0x78: {  	v7 =	vsel vm2, $0xFFFFFFFF, v7  }
0x79: {  	vm2 =	vgt.s32 v7, $0x0  }
0x7a: {  	vm1 =	vmor vm1, vm0;
	v8, _, _ =	vpop (xrf2);
	v63 =	vnsel vm2, $0x0, v7  }
0x7b: {  	v9 =	vperm.xlane v8, v63  }
0x7c: {  	vm2 =	vgt.s32 v7, $0xFFFFFFFF  }
0x7d: {  	v7 =	vnsel vm2, $0x0, v9  }
0x7e: {  	v7 =	vsub.f32 v8, v7;
	_ =	sdelay $0x1  }
0x7f: {  	[tilespmem:v6+s14+$0x0] =	vst.idx.add.f32.msk vm1, v7  }
0x80: {  	[tilespmem:v6+s15+$0x0] =	vst.idx.add.s32.msk vm1, v5  }
0x81: {  	[spmem:s5] =	stream.strided.scatter [tilespmem:s14], [sflag:$0x1], $0x2800, s17, s16, $0x38;
	[tilespmem:$0x14400] =	vst v63  }
0x82: {  	_ =	swait.ge [sflag:s13], $0x2800  }
0x83: {  	[sflag:s13] =	ssyncset.done $0x0  }
0x84: {  	[sflag:s13] =	ssyncadd.s32 $0xFFFFD800  }
0x85: {  	[spmem:s6] =	stream.strided.scatter [tilespmem:s15], [sflag:$0x1], $0x2800, s17, s16, $0x38;
	[tilespmem:$0x14400] =	vst v63  }
0x86: {  	_ =	swait.ge [sflag:s13], $0x2800  }
0x87: {  	[sflag:s13] =	ssyncset.done $0x0  }
0x88: {  	[sflag:s13] =	ssyncadd.s32 $0xFFFFD800  }
0x89: {  	s0 =	simm.s32 $0x9F00;
	[bflag:$0x0] =	sbarrier.arrive $0xFFFF  }
0x8a: {  	[tilespmem:s0], [sflag:$0x1] =	stream.strided.gather [spmem:s7], $0x2800, s19, s18, $0x38;
	[tilespmem:$0x14400] =	vst v63  }
0x8b: {  	_ =	swait.ge [sflag:s13], $0x2800  }
0x8c: {  	[sflag:s13] =	ssyncset.done $0x0  }
0x8d: {  	s31 =	simm.s32 $0xC700;
	[sflag:s13] =	ssyncadd.s32 $0xFFFFD800  }
0x8e: {  	[tilespmem:s31], [sflag:$0x1] =	stream.strided.gather [spmem:s8], $0x2800, s19, s18, $0x38;
	[tilespmem:$0x14400] =	vst v63  }
0x8f: {  	_ =	swait.ge [sflag:s13], $0x2800  }
0x90: {  	s26 =	simm.s32 $0x0;
	[sflag:s13] =	ssyncset.done $0x0  }
0x91: {  	s1 =	simm.s32 $0x0;
	s0 =	simm.s32 $0x40;
	[sflag:s13] =	ssyncadd.s32 $0xFFFFD800  }
.LBB2_6:
0x92: {  	p0 =	sne.s32 s0, $0x9C0;
	[tilespmem:s1+$0xEF00] =	vst v0;
	s12 =	smov.u32 s0;
	s0 =	sadd.s32 $0x40, s0  }
.Ltmp2:
0x93: {  	[tilespmem:s1+$0xF180] =	vst v1;
	(pc) =	sbr.rel @p0 .LBB2_6-.Ltmp2, $2  }
0x94: {  	_ =	sdelay $0x2  }
0x95: {  	s1 =	sshra.s32 s12, $0x2  }
0x96: {  	[tilespmem:s1+$0xEF00] =	vst v0  }
0x97: {  	[tilespmem:s1+$0xF180] =	vst v1  }
.LBB2_8:
0x98: {  	s0 =	sshrl.u32 s26, $0x3  }
0x99: {  	s1 =	sshll.u32 s26, $0x7;
	s0 =	smul.u32 $0x1400, s0  }
0x9a: {  	s12 =	simm.s32 $0x0;
	s1 =	sand.u32 $0x380, s1  }
0x9b: {  	s20 =	sand.u32 $0x1C00, s12;
	s28 =	sor.u32 s1, s0  }
0x9c: {  	s30 =	simm.s32 $0xEF00;
	s21 =	sand.u32 $0x70, s12;
	s0 =	sadd.s32 s28, s20  }
0x9d: {  	v6 =	vld [tilespmem:s30+$0x0];
	s0 =	sor.u32 s21, s0  }
0x9e: {  	v7 =	vld [tilespmem:s0+$0x9F00];
	_ =	sdelay $0x4  }
0x9f: {  	v6 =	vadd.f32 v7, v6;
	_ =	sdelay $0x1  }
0xa0: {  	s29 =	simm.s32 $0xF180;
	[tilespmem:s30+$0x0] =	vst v6  }
0xa1: {  	v6 =	vld [tilespmem:s29+$0x0]  }
0xa2: {  	v7 =	vld [tilespmem:s0+$0xC700];
	_ =	sdelay $0x1  }
0xa3: {  	s31 =	simm.s32 $0x20  }
0xa4: {  	s12 =	simm.s32 $0x10;
	s1 =	simm.s32 $0x80;
	s0 =	simm.s32 $0xF180  }
.LBB2_9:
0xa5: {  	s20 =	sand.u32 $0x1C00, s1  }
0xa6: {  	v6 =	vadd.s32 v6, v7;
	s30 =	sadd.s32 $0x10, s30;
	s29 =	sadd.s32 $0x10, s29;
	s21 =	smov.u32 s31  }
0xa7: {  	p0 =	sne.s32 s31, $0x270;
	s12 =	sand.u32 $0x70, s12;
	s20 =	sadd.s32 s28, s20;
	[tilespmem:s0+$0x0] =	vst v6  }
0xa8: {  	s31 =	sadd.s32 $0x10, s31;
	s0 =	smov.u32 s29;
	v6 =	vld [tilespmem:s30+$0x0];
	s20 =	sor.u32 s12, s20  }
0xa9: {  	s12 =	smov.u32 s21;
	v7 =	vld [tilespmem:s20+$0x9F00];
	_ =	sdelay $0x4  }
0xaa: {  	v6 =	vadd.f32 v7, v6;
	_ =	sdelay $0x1  }
0xab: {  	[tilespmem:s30+$0x0] =	vst v6  }
0xac: {  	v6 =	vld [tilespmem:s29+$0x0]  }
.Ltmp3:
0xad: {  	v7 =	vld [tilespmem:s20+$0xC700];
	(pc) =	sbr.rel @p0 .LBB2_9-.Ltmp3, $2  }
0xae: {  	_ =	sdelay $0x2  }
0xaf: {  	s1 =	sadd.s32 $0x80, s1  }
0xb0: {  	s1 =	sand.u32 $0x1C00, s1;
	v6 =	vadd.s32 v6, v7  }
0xb1: {  	s20 =	sadd.s32 $0x10, s30;
	s12 =	sand.u32 $0x70, s12;
	s1 =	sadd.s32 s28, s1;
	[tilespmem:s0+$0x0] =	vst v6  }
0xb2: {  	v6 =	vld [tilespmem:s20+$0x0];
	s30 =	sor.u32 s12, s1  }
0xb3: {  	v7 =	vld [tilespmem:s30+$0x9F00];
	_ =	sdelay $0x4  }
0xb4: {  	v6 =	vadd.f32 v7, v6;
	_ =	sdelay $0x1  }
0xb5: {  	s31 =	sadd.s32 $0x10, s29;
	[tilespmem:s20+$0x0] =	vst v6  }
0xb6: {  	v6 =	vld [tilespmem:s31+$0x0]  }
0xb7: {  	s26 =	sadd.s32 $0x1, s26;
	v7 =	vld [tilespmem:s30+$0xC700]  }
0xb8: {  	p0 =	sne.s32 s26, $0x10  }
.Ltmp4:
0xb9: {  	_ = 	snop;
	(pc) =	sbr.rel @p0 .LBB2_8-.Ltmp4, $3  }
0xba: {  	_ =	sdelay $0x1  }
0xbb: {  	v6 =	vadd.s32 v6, v7  }
0xbc: {  	[tilespmem:s31+$0x0] =	vst v6  }
0xbd: {  	[hbm4b:s9+s16] =	stream.strided.scatter [tilespmem:s23], [sflag:$0x1], $0x280, s22, s16, $0x38;
	[tilespmem:$0x14400] =	vst v63  }
0xbe: {  	s25 =	sadd.s32 $0x1, s25;
	_ =	swait.ge [sflag:s13], $0x280  }
0xbf: {  	p0 =	sne.s32 s25, s11;
	[sflag:s13] =	ssyncset.done $0x0  }
.Ltmp5:
0xc0: {  	[sflag:s13] =	ssyncadd.s32 $0xFFFFFD80;
	(pc) =	sbr.rel @p0 .LBB2_1-.Ltmp5, $4  }
0xc1: {  	[hbm4b:s10+s16] =	stream.strided.scatter [tilespmem:s24], [sflag:$0x1], $0x280, s22, s16, $0x38;
	[tilespmem:$0x14400] =	vst v63  }
0xc2: {  	_ =	swait.ge [sflag:s13], $0x280  }
0xc3: {  	[sflag:s13] =	ssyncset.done $0x0  }
0xc4: {  	[sflag:s13] =	ssyncadd.s32 $0xFFFFFD80  }
0xc5: {  	_ =	sfence.sel $0x180000  }
0xc6: {  	[bflag:$0x0] =	sbarrier.arrive $0xFFFF  }
0xc7: {  	_ =	strace $0x90000047  }
0xc8: {  	s0 =	stileid.u32;
	[bflag:$0x2] =	sbarrier.arrive $0xFFFF  }
0xc9: {  	p0 =	sne.s32 s0, $0x0;
	s0 =	rddreg [dreg:$0x4]  }
0xca: {  	s0 =	sadd.s32 @!p0 $0x100000, s0  }
0xcb: {  	[sflag:s0] =	ssyncadd.tile.s32 @!p0 $0x1;
	_ =	shalt  }
.Lfunc_end2:
_tile_overlayer_lowered:
.L_overlay_start_2:
0xcc: {  	(tag) =	ssettag $0x2  }
0xcd: {  	s0 =	rddreg [dreg:$0x0];
	s2 =	stileid.u32  }
0xce: {  	s1 =	rddreg [dreg:$0x1];
	p0 =	sne.s32 s2, $0x0  }
0xcf: {  	s3 =	rddreg [dreg:$0x2];
	[bflag:$0x3] =	sbarrier.arrive $0xFFFF;
	s2 =	simm.s32 @!p0 $0x1C01  }
0xd0: {  	[timem:s3], [sflag:s2] =	dma.local @!p0 [hbm:s0], s1  }
0xd1: {  	s0 =	simm.s32 @!p0 $0x1  }
0xd2: {  	_ =	swait.ge @!p0 [sflag:s0], s1  }
0xd3: {  	s1 =	ssub.s32 @!p0 $0x0, s1;
	[sflag:s0] =	ssyncset.done @!p0 $0x0  }
0xd4: {  	[sflag:s0] =	ssyncadd.s32 @!p0 s1  }
0xd5: {  	[bflag:$0x3] =	sbarrier.arrive $0xFFFF  }
0xd6: {  	_ =	shalt  }

// kernel: kernel.8.cloned.1.call-start
scs
__scs_entry_jumppad:
0x0: {  	(pc) =	sbr.rel $0x88, $3  }
0x1: {  	(tag) =	ssettag $0x0;
	lr =	simm.s32 $0x1  }
0x2: {  	[smem:$0x3F9B] =	sst lr;
	_ =	strace $0xD0000000  }
0x3: {  	_ = 	snop  }
0x4: {  	_ = 	snop  }
0x5: {  	_ = 	snop  }
0x6: {  	_ = 	snop  }
0x7: {  	_ = 	snop  }
__scs_overlays_trampoline_lowered:
0x8: {  	[smem:$0x3FAA] =	sst s0  }
0x9: {  	[smem:$0x3FAB] =	sst s1  }
0xa: {  	[smem:$0x3FAC] =	sst s2  }
0xb: {  	[smem:$0x3FAD] =	sst s3  }
0xc: {  	[smem:$0x3FAE] =	sst s4  }
0xd: {  	[smem:$0x3FAF] =	sst s5  }
0xe: {  	[smem:$0x3FB0] =	sst s6  }
0xf: {  	[smem:$0x3FB1] =	sst s7  }
0x10: {  	[smem:$0x3FB2] =	sst s8  }
0x11: {  	[smem:$0x3FB3] =	sst s9;
	s0 =	simm.s32 @!p0 $0x0  }
0x12: {  	s1 =	sld [smem:$0x3F99];
	s0 =	simm.s32 @p0 $0x1  }
0x13: {  	[smem:$0x3FB4] =	sst s0;
	s0 =	simm.s32 @!p1 $0x0  }
0x14: {  	s2 =	sld [smem:$0x3F98];
	s0 =	simm.s32 @p1 $0x1  }
0x15: {  	[smem:$0x3FB5] =	sst s0;
	s0 =	simm.s32 @!p2 $0x0  }
0x16: {  	s3 =	sld [smem:$0x3FDB];
	s0 =	simm.s32 @p2 $0x1  }
0x17: {  	s4 =	simm.s32 $0x1BF5;
	[smem:$0x3FB7] =	sst s0  }
0x18: {  	s0 =	sld [smem:$0x3F9A];
	_ =	swait.ge [sflag:s4], $0x0  }
0x19: {  	s7 =	sld [smem:$0x3F9B]  }
0x1a: {  	s8 =	sadd.s32 $0xFFFFE003, lr  }
0x1b: {  	s9 =	sadd.s32 $0xFFFFFEF7, lr;
	s5 =	simm.s32 $0xFFFFFFFF;
	p2 =	slt.u32 s8, $0xFFFFF086  }
0x1c: {  	p1 =	slt.u32 s9, $0xF7A;
	s5 =	simm.s32 @!p2 $0x0  }
0x1d: {  	s5 =	simm.s32 @p1 $0x1;
	p0 =	seq.s32 s7, s2  }
0x1e: {  	s7 =	smul.u32 @!p0 $0xF7A, s2;
	p2 =	seq.s32 @!p0 s5, $0x0  }
0x1f: {  	s9 =	smul.u32 $0xF7A, s1;
	s8 =	simm.s32 @!p0 $0x1BF5;
	p2 =	por !p2, p0  }
0x20: {  	[sflag:s8] =	ssyncset.s32 @!p0 $0xFFFFF086;
	s6 =	sadd.s32 @!p0 s3, s7;
	s7 =	simm.s32 @!p0 $0x108  }
0x21: {  	s3 =	sadd.s32 s3, s9;
	s6 =	sadd.s32 @!p0 $0x88, s6;
	s7 =	simm.s32 @p2 $0x1082  }
0x22: {  	[simem:s7], [sflag:s8] =	dma.local @!p0 [hbm:s6], $0xF7A  }
0x23: {  	s9 =	sor.u32 $0xD0000000, s2;
	s6 =	simm.s32 $0x108;
	_ =	swait.ge @!p0 [sflag:s8], $0x0  }
0x24: {  	s3 =	sadd.s32 $0x88, s3;
	s6 =	simm.s32 @!p1 $0x1082;
	[sflag:s4] =	ssyncset.s32 $0xFFFFF086  }
0x25: {  	[simem:s6], [sflag:s4] =	dma.local [hbm:s3], $0xF7A  }
0x26: {  	[smem:$0x3F9B] =	sst s1;
	(tag) =	ssettag s2;
	_ =	strace s9  }
0x27: {  	s1 =	sld [smem:$0x3FAB]  }
0x28: {  	s2 =	sld [smem:$0x3FAC]  }
0x29: {  	s4 =	sld [smem:$0x3FAE]  }
0x2a: {  	p0 =	seq.s32 s5, $0x0;
	s5 =	sld [smem:$0x3FAF]  }
0x2b: {  	s6 =	sld [smem:$0x3FB0]  }
0x2c: {  	s7 =	sld [smem:$0x3FB1]  }
0x2d: {  	s3 =	simm.s32 $0x108;
	s8 =	sld [smem:$0x3FB2]  }
0x2e: {  	s3 =	simm.s32 @!p0 $0x1082;
	s9 =	sld [smem:$0x3FB3]  }
0x2f: {  	lr =	sadd.s32 s0, s3;
	s0 =	sld [smem:$0x3FAA]  }
0x30: {  	s3 =	sld [smem:$0x3FAD]  }
0x31: {  	[smem:$0x3FB6] =	sst s10  }
0x32: {  	s10 =	sld [smem:$0x3FB4];
	_ =	sdelay $0x3  }
0x33: {  	p0 =	seq.s32 s10, $0x1;
	s10 =	sld [smem:$0x3FB6];
	_ =	sdelay $0x3  }
0x34: {  	[smem:$0x3FB6] =	sst s10  }
0x35: {  	s10 =	sld [smem:$0x3FB5];
	_ =	sdelay $0x3  }
0x36: {  	p1 =	seq.s32 s10, $0x1;
	s10 =	sld [smem:$0x3FB6];
	_ =	sdelay $0x3  }
0x37: {  	[smem:$0x3FB6] =	sst s10  }
0x38: {  	s10 =	sld [smem:$0x3FB7]  }
0x39: {  	_ = 	snop;
	(pc) =	sbr.ind lr, $3  }
0x3a: {  	_ = 	snop  }
0x3b: {  	_ = 	snop  }
0x3c: {  	p2 =	seq.s32 s10, $0x1;
	s10 =	sld [smem:$0x3FB6]  }
0x3d: {  	_ =	shalt  }
0x3e: {  	_ =	shalt  }
0x3f: {  	_ =	shalt  }
0x40: {  	_ =	shalt  }
0x41: {  	_ =	shalt  }
0x42: {  	_ =	shalt  }
0x43: {  	_ =	shalt  }
0x44: {  	_ =	shalt  }
0x45: {  	_ =	shalt  }
0x46: {  	_ =	shalt  }
0x47: {  	_ =	shalt  }
0x48: {  	_ =	shalt  }
0x49: {  	_ =	shalt  }
0x4a: {  	_ =	shalt  }
0x4b: {  	_ =	shalt  }
0x4c: {  	_ =	shalt  }
0x4d: {  	_ =	shalt  }
0x4e: {  	_ =	shalt  }
0x4f: {  	_ =	shalt  }
0x50: {  	_ =	shalt  }
0x51: {  	_ =	shalt  }
0x52: {  	_ =	shalt  }
0x53: {  	_ =	shalt  }
0x54: {  	_ =	shalt  }
0x55: {  	_ =	shalt  }
0x56: {  	_ =	shalt  }
0x57: {  	_ =	shalt  }
0x58: {  	_ =	shalt  }
0x59: {  	_ =	shalt  }
0x5a: {  	_ =	shalt  }
0x5b: {  	_ =	shalt  }
0x5c: {  	_ =	shalt  }
0x5d: {  	_ =	shalt  }
0x5e: {  	_ =	shalt  }
0x5f: {  	_ =	shalt  }
0x60: {  	_ =	shalt  }
0x61: {  	_ =	shalt  }
0x62: {  	_ =	shalt  }
0x63: {  	_ =	shalt  }
0x64: {  	_ =	shalt  }
0x65: {  	_ =	shalt  }
0x66: {  	_ =	shalt  }
0x67: {  	_ =	shalt  }
0x68: {  	_ =	shalt  }
0x69: {  	_ =	shalt  }
0x6a: {  	_ =	shalt  }
0x6b: {  	_ =	shalt  }
0x6c: {  	_ =	shalt  }
0x6d: {  	_ =	shalt  }
0x6e: {  	_ =	shalt  }
0x6f: {  	_ =	shalt  }
0x70: {  	_ =	shalt  }
0x71: {  	_ =	shalt  }
0x72: {  	_ =	shalt  }
0x73: {  	_ =	shalt  }
0x74: {  	_ =	shalt  }
0x75: {  	_ =	shalt  }
0x76: {  	_ =	shalt  }
0x77: {  	_ =	shalt  }
0x78: {  	_ =	shalt  }
0x79: {  	_ =	shalt  }
0x7a: {  	_ =	shalt  }
0x7b: {  	_ =	shalt  }
0x7c: {  	_ =	shalt  }
0x7d: {  	_ =	shalt  }
0x7e: {  	_ =	shalt  }
0x7f: {  	_ =	shalt  }
0x80: {  	_ =	shalt  }
0x81: {  	_ =	shalt  }
0x82: {  	_ =	shalt  }
0x83: {  	_ =	shalt  }
0x84: {  	_ =	shalt  }
0x85: {  	_ =	shalt  }
0x86: {  	_ =	shalt  }
0x87: {  	_ =	shalt  }
.Lfunc_end0:
.L_simem_size_0:
called_computation.1_lowered:
.L_overlay_start_0:
0x88: {  	s0 =	sld [smem:$0x3FD9]  }
0x89: {  	s1 =	sld [smem:$0x3FFE];
	_ =	sdelay $0x3  }
0x8a: {  	s0 =	sadd.s32 s1, s0  }
0x8b: {  	[smem:$0x3FC2] =	sst s0  }
0x8c: {  	_ = 	snop  }
0x8d: {  	(tm) =	ssettm $0x1  }
0x8e: {  	s15 =	sld [smem:$0x3FFB];
	_ =	sdelay $0x3  }
0x8f: {  	_ =	strace s15  }
0x90: {  	s0 =	sld [smem:$0x3FFC];
	_ =	sdelay $0x3  }
0x91: {  	_ =	strace s0  }
0x92: {  	s0 =	sld [smem:$0x3FFD];
	_ =	sdelay $0x3  }
0x93: {  	_ =	strace s0  }
0x94: {  	_ =	strace $0x8FFFFFFF  }
0x95: {  	s16 =	sld [smem:$0x3FDB];
	_ =	sdelay $0x1  }
0x96: {  	s17 =	simm.s32 $_scs_section_size  }
0x97: {  	s2 =	simm.s32 $_size__tile_overlayer_lowered;
	s3 =	simm.s32 $_tile_overlayer_lowered  }
0x98: {  	s20 =	simm.s32 $0x1BFF;
	s19 =	sshll.u32 s3, $0x1;
	s0 =	sadd.s32 s17, s16  }
0x99: {  	s4 =	simm.s32 $0x0;
	s18 =	sshll.u32 s2, $0x1;
	s2 =	sadd.s32 s19, s0  }
0x9a: {  	[timem:s4], [sflag:s20] =	dma.local [hbm:s2], s18  }
0x9b: {  	_ =	swait.ge [sflag:s20], s18  }
0x9c: {  	s1 =	ssub.s32 $0x0, s18;
	[sflag:s20] =	ssyncset.done $0x0  }
0x9d: {  	[sflag:s20] =	ssyncadd.s32 s1;
	_ =	sdelay $0x1  }
0x9e: {  	s21 =	simm.s32 $0x1B8B  }
0x9f: {  	_ =	swait.ge [sflag:s21], $0x1  }
0xa0: {  	[sflag:s21] =	ssyncset.done $0x0  }
0xa1: {  	s23 =	simm.s32 $0x1B8E;
	s22 =	sld [smem:$0x3FFE];
	[sflag:s21] =	ssyncadd.s32 $0xFFFFFFFF  }
0xa2: {  	s24 =	simm.s32 $execute0_lowered;
	[smem:$0x3FD2] =	sst s23  }
0xa3: {  	s2 =	sshll.u32 s24, $0x1;
	_ =	strace $0x80000049;
	[dreg:$0x1] =	wrdreg $0xFFFFFFFF  }
0xa4: {  	s25 =	simm.s32 $_size_execute0_lowered;
	s0 =	sadd.s32 s0, s2;
	[dreg:$0x0] =	wrdreg $0x0  }
0xa5: {  	s2 =	sshll.u32 s25, $0x1;
	[dreg:$0x2] =	wrdreg s0  }
0xa6: {  	[dreg:$0x3] =	wrdreg s2  }
0xa7: {  	[dreg:$0x4] =	wrdreg $0xC0  }
0xa8: {  	_ =	task [dreg:s4], $0x5FFFF  }
0xa9: {  	[dreg:$0x1] =	wrdreg $0xFFFFFFFF  }
0xaa: {  	[dreg:$0x0] =	wrdreg $0x60  }
0xab: {  	[dreg:$0x2] =	wrdreg s22  }
0xac: {  	[dreg:$0x3] =	wrdreg $0x9  }
0xad: {  	_ =	task.clear_ibuf [dreg:s4], $0x4FFFF;
	_ =	strace $0x90000049  }
0xae: {  	s26 =	simm.s32 $0x9;
	_ =	strace $0x8000004B  }
0xaf: {  	_ =	swait.ge [sflag:s26], $0x1  }
0xb0: {  	[sflag:s26] =	ssyncadd.s32 $0xFFFFFFFF  }
0xb1: {  	_ =	strace $0x9000004B  }
0xb2: {  	_ =	sfence  }
0xb3: {  	s28 =	sld [smem:$0x0];
	_ =	sdelay $0x1  }
0xb4: {  	s29 =	srdreg.scid  }
0xb5: {  	s30 =	sshll.u32 s29, $0xD;
	s31 =	sshrl.u32 s29, $0x2  }
0xb6: {  	s1 =	sand.u32 $0x1, s29;
	s2 =	sand.u32 $0x4000, s30;
	s0 =	sadd.s32 s31, s28  }
0xb7: {  	s1 =	sor.u32 s2, s1;
	s0 =	sshll.u32 s0, $0x11  }
0xb8: {  	s0 =	sor.u32 s0, s1  }
0xb9: {  	s0 =	sadd.s32 $0x8F2B, s0  }
0xba: {  	[sflag:s0] =	ssyncadd.remote.s32 $0x1  }
0xbb: {  	_ =	sfence.sel $0xFFFF  }
0xbc: {  	[dreg:$0x0] =	wrdreg $0xFFFFFFFF;
	(pc) =	sbr.abs _section_cstart, $3  }
0xbd: {  	[dreg:$0x1] =	wrdreg $0xFFFFFFFF  }
0xbe: {  	_ =	task.clear_ibuf [dreg:s4], $0x2FFFF;
	_ =	strace $0x9FFFFFFF  }
0xbf: {  	(tm) =	ssettm $0x7FFFFFFF  }
tec
execute0_lowered:
.L_overlay_start_1:
0x0: {  	(tag) =	ssettag $0x1  }
0x1: {  	s1 =	rddreg [dreg:$0x0];
	s2 =	stileid.u32  }
0x2: {  	s0 =	rddreg [dreg:$0x1];
	_ =	strace $0x8000004A;
	p0 =	sne.s32 s2, $0x0  }
0x3: {  	_ =	sfence.sel @p0 $0x180000  }
0x4: {  	[bflag:$0x0] =	sbarrier.arrive @p0 $0xFFFF  }
0x5: {  	_ =	strace @p0 $0x9000004A  }
0x6: {  	[bflag:$0x2] =	sbarrier.arrive @p0 $0xFFFF  }
0x7: {  	_ =	shalt @p0  }
.LBB2_1:
0x8: {  	s2 =	sadd.s32 $0xB000, s1;
	s3 =	simm.s32 $0x0;
	s28 =	simm.s32 $0x1  }
0x9: {  	[tilespmem:s3], [sflag:$0x1] =	stream.linear.gather [hbm4b:s2+s3], $0x5000, $0x38;
	[tilespmem:$0x11800] =	vst v63  }
0xa: {  	_ =	swait.ge [sflag:s28], $0x5000  }
0xb: {  	[sflag:s28] =	ssyncset.done $0x0  }
0xc: {  	s4 =	sadd.s32 $0xBA00, s1;
	s5 =	simm.s32 $0x5000;
	[sflag:s28] =	ssyncadd.s32 $0xFFFFB000  }
0xd: {  	[tilespmem:s5], [sflag:$0x1] =	stream.linear.gather [hbm4b:s4+s3], $0x5000, $0x38;
	[tilespmem:$0x11800] =	vst v63  }
0xe: {  	_ =	swait.ge [sflag:s28], $0x5000  }
0xf: {  	s29 =	sand.u32 $0x70, s3;
	s3 =	sand.u32 $0x7F00, s3;
	[sflag:s28] =	ssyncset.done $0x0  }
0x10: {  	s30 =	sor.u32 s29, s3;
	[sflag:s28] =	ssyncadd.s32 $0xFFFFB000  }
0x11: {  	v0 =	vld [tilespmem:s30+$0x0]  }
0x12: {  	v1 =	vld [tilespmem:s30+$0x80];
	_ =	sdelay $0x4  }
0x13: {  	v0 =	vadd.f32 v1, v0  }
0x14: {  	s3 =	simm.s32 $0xA000  }
0x15: {  	[tilespmem:s3+$0x0] =	vst v0  }
0x16: {  	v1 =	vld [tilespmem:s30+$0x5000]  }
0x17: {  	v2 =	vld [tilespmem:s30+$0x5080];
	_ =	sdelay $0x2  }
0x18: {  	s1 =	sadd.s32 $0x1200, s1;
	s31 =	simm.s32 $0x10  }
0x19: {  	s6 =	simm.s32 $0x20;
	s7 =	sand.u32 $0x70, s31;
	s5 =	simm.s32 $0x20  }
0x1a: {  	s2 =	simm.s32 $0xC810;
	s4 =	simm.s32 $0xC800;
	s8 =	sand.u32 $0x7F00, s5;
	v0 =	vimm.s32 $0x0;
	v2 =	vadd.s32 v1, v2;
	v1 =	vimm.s32 $0x0  }
.LBB2_2:
0x1b: {  	s7 =	sor.u32 s7, s8;
	s3 =	sadd.s32 $0x10, s3  }
0x1c: {  	[tilespmem:s4+$0x0] =	vst v2;
	vm0 =	vgt.s32 v2, $0x0;
	s8 =	smov.u32 s6;
	s9 =	sadd.s32 $0x10, s6;
	s4 =	smov.u32 s2  }
0x1d: {  	p0 =	sne.s32 s6, $0x27F0;
	v2 =	vld [tilespmem:s7+$0x0];
	v3 =	vsel vm0, $0x1, v0  }
0x1e: {  	v4 =	vld [tilespmem:s7+$0x80];
	v1 =	vadd.s32 v3, v1;
	_ =	sdelay $0x4  }
0x1f: {  	v2 =	vadd.f32 v4, v2;
	_ =	sdelay $0x1  }
0x20: {  	[tilespmem:s3+$0x0] =	vst v2  }
0x21: {  	v2 =	vld [tilespmem:s7+$0x5000]  }
0x22: {  	v3 =	vld [tilespmem:s7+$0x5080]  }
.Ltmp0:
0x23: {  	(pc) =	sbr.rel @p0 .LBB2_2-.Ltmp0, $3  }
0x24: {  	_ =	sdelay $0x1  }
0x25: {  	s5 =	sadd.s32 $0x20, s5;
	s2 =	sadd.s32 $0x10, s2  }
0x26: {  	s6 =	smov.u32 s9;
	s7 =	sand.u32 $0x70, s8;
	s8 =	sand.u32 $0x7F00, s5;
	v2 =	vadd.s32 v2, v3  }
0x27: {  	s5 =	sor.u32 s7, s8;
	[tilespmem:s4+$0x0] =	vst v2  }
0x28: {  	v3 =	vld [tilespmem:s5+$0x0]  }
0x29: {  	v4 =	vld [tilespmem:s5+$0x80];
	_ =	sdelay $0x4  }
0x2a: {  	v3 =	vadd.f32 v4, v3  }
0x2b: {  	s3 =	sadd.s32 $0x10, s3  }
0x2c: {  	[tilespmem:s3+$0x0] =	vst v3  }
0x2d: {  	v3 =	vld [tilespmem:s5+$0x5000]  }
0x2e: {  	v60 =	vld [tilespmem:s5+$0x5080];
	_ =	sdelay $0x4  }
0x2f: {  	vm0 =	vgt.s32 v2, $0x0;
	v61 =	vadd.s32 v3, v60  }
0x30: {  	v62 =	vsel vm0, $0x1, v0;
	vm15 =	vgt.s32 v61, $0x0  }
0x31: {  	v1 =	vadd.s32 v62, v1;
	v63 =	vsel vm15, $0x1, v0  }
0x32: {  	v0 =	vadd.s32 v63, v1  }
0x33: {  	(xrf0) =	vadd.scan.msk.s32 $0xffff, v0;
	_ =	sdelay $0x5  }
0x34: {  	v0, _, _ =	vpop (xrf0)  }
0x35: {  	(v2sf) =	vpush v0, $0xF;
	_ =	sdelay $0xe  }
0x36: {  	s31 =	spop (v2sf)  }
0x37: {  	p0 =	seq.s32 s31, $0x2710  }
.Ltmp1:
0x38: {  	_ = 	snop;
	(pc) =	sbr.rel @p0 .LBB2_9-.Ltmp1, $2  }
0x39: {  	_ =	sdelay $0x2  }
0x3a: {  	s4 =	simm.s32 $0xA000;
	[tilespmem:s2+$0x0] =	vst v61  }
0x3b: {  	s2 =	simm.s32 $0x0;
	v0 =	vimm.f32 $0.0e+00  }
.LBB2_5:
0x3c: {  	p0 =	sne.s32 s2, $0x9FC0  }
.Ltmp2:
0x3d: {  	_ = 	snop;
	(pc) =	sbr.rel @p0 .LBB2_5-.Ltmp2, $3  }
0x3e: {  	_ =	sdelay $0x1  }
0x3f: {  	s3 =	sshra.s32 s2, $0x2  }
0x40: {  	s2 =	sadd.s32 $0x40, s2;
	[tilespmem:s3+$0xF000] =	vst v0  }
0x41: {  	v0 =	vimm.s32 $0x0;
	v1 =	vimm.s32 $0x0;
	v2 =	vimm.s32 $0xF;
	s2 =	simm.s32 $0x0;
	s3 =	simm.s32 $0x40;
	s4 =	simm.s32 $0xF000  }
.LBB2_7:
0x42: {  	p0 =	sne.s32 s3, $0x9FC0;
	v3 =	vld [tilespmem:s2+$0xC800];
	_ =	sdelay $0x4  }
0x43: {  	vm0 =	vgt.s32 v3, $0x0  }
0x44: {  	v3 =	vsel vm0, $0xFFFFFFFF, v1;
	v4 =	vsel vm0, $0x1, v1  }
0x45: {  	(xrf0) =	vadd.scan.msk.s32 $0xffff, v4;
	_ =	sdelay $0x5  }
0x46: {  	v3 =	vadd.s32 v3, v0;
	v4, _, _ =	vpop (xrf0)  }
0x47: {  	v3 =	vadd.s32 v4, v3;
	v5 =	vld [tilespmem:s2+$0xA000];
	v4 =	vperm.xlane v4, v2  }
.Ltmp3:
0x48: {  	(pc) =	sbr.rel @p0 .LBB2_7-.Ltmp3, $2  }
0x49: {  	v0 =	vadd.s32 v0, v4;
	_ =	sdelay $0x2  }
0x4a: {  	s2 =	sshra.s32 s3, $0x2;
	s3 =	sadd.s32 $0x40, s3;
	[tilespmem:v3+s4+$0x0] =	vst.idx.msk vm0, v5  }
0x4b: {  	v2 =	vld [tilespmem:s2+$0xC800];
	_ =	sdelay $0x4  }
0x4c: {  	vm0 =	vgt.s32 v2, $0x0  }
0x4d: {  	v2 =	vsel vm0, $0x1, v1  }
0x4e: {  	(xrf0) =	vadd.scan.msk.s32 $0xffff, v2;
	_ =	sdelay $0x4  }
0x4f: {  	v61 =	vsel vm0, $0xFFFFFFFF, v1  }
0x50: {  	v0 =	vadd.s32 v61, v0;
	v62, _, _ =	vpop (xrf0)  }
0x51: {  	v63 =	vld [tilespmem:s2+$0xA000];
	v0 =	vadd.s32 v62, v0;
	_ =	sdelay $0x4  }
0x52: {  	[tilespmem:v0+s4+$0x0] =	vst.idx.msk vm0, v63  }
.LBB2_9:
0x53: {  	s2 =	simm.s32 $0x0;
	s31 =	simm.s32 $0x1  }
0x54: {  	[hbm4b:s1+s2] =	stream.linear.scatter [tilespmem:s4], [sflag:$0x1], $0x2710, $0x38;
	[tilespmem:$0x11800] =	vst v63  }
0x55: {  	_ =	swait.ge [sflag:s31], $0x2710  }
0x56: {  	[sflag:s31] =	ssyncset.done $0x0  }
0x57: {  	[sflag:s31] =	ssyncadd.s32 $0xFFFFD8F0  }
0x58: {  	_ =	sfence.sel $0x180000  }
0x59: {  	[bflag:$0x0] =	sbarrier.arrive $0xFFFF  }
0x5a: {  	_ =	strace $0x9000004A  }
0x5b: {  	s0 =	sadd.s32 $0x100000, s0;
	[bflag:$0x2] =	sbarrier.arrive $0xFFFF  }
0x5c: {  	[sflag:s0] =	ssyncadd.tile.s32 $0x1;
	_ =	shalt  }
.Lfunc_end2:
_tile_overlayer_lowered:
.L_overlay_start_2:
0x5d: {  	(tag) =	ssettag $0x2  }
0x5e: {  	s0 =	rddreg [dreg:$0x0];
	s2 =	stileid.u32  }
0x5f: {  	s1 =	rddreg [dreg:$0x1];
	p0 =	sne.s32 s2, $0x0  }
0x60: {  	s3 =	rddreg [dreg:$0x2];
	[bflag:$0x3] =	sbarrier.arrive $0xFFFF;
	s2 =	simm.s32 @!p0 $0x1C01  }
0x61: {  	[timem:s3], [sflag:s2] =	dma.local @!p0 [hbm:s0], s1  }
0x62: {  	s0 =	simm.s32 @!p0 $0x1  }
0x63: {  	_ =	swait.ge @!p0 [sflag:s0], s1  }
0x64: {  	s1 =	ssub.s32 @!p0 $0x0, s1;
	[sflag:s0] =	ssyncset.done @!p0 $0x0  }
0x65: {  	[sflag:s0] =	ssyncadd.s32 @!p0 s1  }
0x66: {  	[bflag:$0x3] =	sbarrier.arrive $0xFFFF  }
0x67: {  	_ =	shalt  }

</sc_bundles>
